<compile_context>
chip_gen: v7x
topology: tpu7x:2x2x1
jax: 0.10.2.dev20260603
libtpu: 0.0.44.dev20260713+nightly
codegen_flags: <defaults>
</compile_context>

<pallas_src>
import functools

import jax
import jax.numpy as jnp
from jax import lax
from jax.experimental import pallas as pl
from jax.experimental.pallas import tpu as pltpu
from jax.experimental.pallas import tpu_sc as plsc

N = 320000
D = 128
B = 16
NC = 2
NS = 16
NW = NC * NS

RW = 5600
N_SC = NW * RW
CH = 200
NCHUNK = RW // CH
NG = D // 16

BLK = 3200
OFF = N_SC // BLK
NBLK = (N - N_SC) // BLK


def _sc_body(x_hbm, ed2_hbm, out_hbm, buf0, buf1, ed2_v, acc_v, sem0, sem1):
    cid = lax.axis_index("c")
    sid = lax.axis_index("s")
    wid = cid * NS + sid
    lo = wid * RW

    pltpu.sync_copy(ed2_hbm, ed2_v)
    ev_lo = ed2_v[0, :]
    ev_hi = ed2_v[1, :]

    zeros16 = jnp.zeros((16,), jnp.float32)
    for s in range(B):
        for g in range(NG):
            acc_v[s, pl.ds(16 * g, 16)] = zeros16

    bufs = (buf0, buf1)
    sems = (sem0, sem1)
    for b in range(2):
        pltpu.make_async_copy(
            x_hbm.at[pl.ds(lo + b * CH, CH)], bufs[b], sems[b]).start()

    iota = lax.iota(jnp.int32, 16)
    ones16 = jnp.ones((16,), jnp.int32)
    zeros16i = jnp.zeros((16,), jnp.int32)

    def seg_of(r):
        rv = jnp.full((16,), r, jnp.int32)
        return jnp.sum(jnp.where(ev_hi <= rv, ones16, zeros16i))

    def extract(vec, s):
        sv = jnp.full((16,), s, jnp.int32)
        return jnp.sum(jnp.where(iota == sv, vec, zeros16i))

    def process(buf, a):
        s_lo = seg_of(a)
        s_hi = seg_of(a + (CH - 1))

        def seg_body(s, _):
            rs = jnp.maximum(a, extract(ev_lo, s)) - a
            re = jnp.minimum(a + CH, extract(ev_hi, s)) - a
            init = tuple(jnp.zeros((16,), jnp.float32) for _ in range(NG))

            @plsc.parallel_loop(rs, re, 1, unroll=4, carry=init)
            def part(r, carry):
                return tuple(carry[g] + buf[r, pl.ds(16 * g, 16)]
                             for g in range(NG))

            for g in range(NG):
                acc_v[s, pl.ds(16 * g, 16)] = (
                    acc_v[s, pl.ds(16 * g, 16)] + part[g])
            return 0

        lax.fori_loop(s_lo, s_hi + 1, seg_body, 0)

    def chunk_pair(k, _):
        for b in range(2):
            c = 2 * k + b
            a = lo + c * CH
            pltpu.make_async_copy(
                x_hbm.at[pl.ds(a, CH)], bufs[b], sems[b]).wait()
            process(bufs[b], a)

            @pl.when(c + 2 < NCHUNK)
            def _prefetch():
                pltpu.make_async_copy(
                    x_hbm.at[pl.ds(a + 2 * CH, CH)], bufs[b], sems[b]).start()
        return 0

    lax.fori_loop(0, NCHUNK // 2, chunk_pair, 0)

    pltpu.sync_copy(acc_v, out_hbm.at[wid])


def _tc_seg_body(ed_ref, x_ref, o_ref):
    g = pl.program_id(0)
    a = N_SC + g * BLK

    @pl.when(g == 0)
    def _init():
        o_ref[...] = jnp.zeros_like(o_ref)

    rows = jax.lax.broadcasted_iota(jnp.int32, (1, BLK), 1) + a
    lo = jnp.concatenate(
        [ed_ref[0, s].reshape(1, 1) for s in range(B)], axis=0)
    hi = jnp.concatenate(
        [ed_ref[1, s].reshape(1, 1) for s in range(B)], axis=0)
    e = ((lo <= rows) & (rows < hi)).astype(jnp.float32)
    o_ref[...] += jax.lax.dot_general(
        e, x_ref[...], (((1,), (0,)), ((), ())),
        preferred_element_type=jnp.float32)


def _tc_combine_body(psc_ref, ptc_ref, w_ref, o_ref):
    xm = jnp.sum(psc_ref[...], axis=0) + ptc_ref[...]
    o_ref[...] = lax.dot_general(
        xm, w_ref[...], (((1,), (1,)), ((), ())),
        preferred_element_type=jnp.float32)


@jax.jit
def kernel(x, edge_slices, W):
    es = edge_slices.astype(jnp.int32)
    ed2 = jnp.stack([es[:B], es[1:B + 1]])

    sc = pl.kernel(
        _sc_body,
        out_type=jax.ShapeDtypeStruct((NW, B, D), jnp.float32),
        mesh=plsc.VectorSubcoreMesh(core_axis_name="c", subcore_axis_name="s",
                                    num_cores=NC, num_subcores=NS),
        compiler_params=pltpu.CompilerParams(needs_layout_passes=False),
        scratch_types=[
            pltpu.VMEM((CH, D), jnp.float32),
            pltpu.VMEM((CH, D), jnp.float32),
            pltpu.VMEM((2, 16), jnp.int32),
            pltpu.VMEM((B, D), jnp.float32),
            pltpu.SemaphoreType.DMA,
            pltpu.SemaphoreType.DMA,
        ],
    )
    partials_sc = sc(x, ed2)

    tc_seg = pl.pallas_call(
        _tc_seg_body,
        grid=(NBLK,),
        in_specs=[
            pl.BlockSpec(memory_space=pltpu.SMEM),
            pl.BlockSpec((BLK, D), lambda g: (OFF + g, 0)),
        ],
        out_specs=pl.BlockSpec((B, D), lambda g: (0, 0)),
        out_shape=jax.ShapeDtypeStruct((B, D), jnp.float32),
        compiler_params=pltpu.CompilerParams(
            dimension_semantics=("arbitrary",)),
    )
    partial_tc = tc_seg(ed2, x)

    out = pl.pallas_call(
        _tc_combine_body,
        out_shape=jax.ShapeDtypeStruct((B, D), jnp.float32),
    )(partials_sc, partial_tc, W)
    return out

# --- scband reference (transcript-rebuilt; emitter-appended) ---
"""Pipeline reference for scband-deep-set-layer-dim1-3006477107664 (READ-ONLY COPY).

The authoritative reference and input builder live on the scoring server;
editing this copy changes nothing except your own understanding.
"""

import jax, jax.numpy as jnp
import numpy as np

N = 320000
D_IN = 128
D_OUT = 128
B = 16


def setup_inputs(seed: int = 0) -> dict:
    key = jax.random.key(seed)
    k1, k2, k3 = jax.random.split(key, 3)
    x = jax.random.normal(k1, (N, D_IN), dtype=jnp.float32)
    # cumulative edge boundaries per graph in the batch: sorted, first=0, last=N
    slices = jnp.sort(jax.random.randint(k2, (B + 1,), 0, N))
    edge_slices = slices.at[0].set(0).at[-1].set(N)
    # Lambda: nn.Linear(in_dim, out_dim, bias=False) -> weight [out_dim, in_dim]
    W = jax.random.normal(k3, (D_OUT, D_IN), dtype=jnp.float32) * 0.05
    return {"x": x, "edge_slices": edge_slices, "W": W}


def reference(x, edge_slices, W):
    n = x.shape[0]
    n_batch = edge_slices.shape[0] - 1
    # batch_e = repeat_interleave(arange(n_batch), diff(edge_slices))
    # equivalently: segment id of row i = (# boundaries <= i) - 1
    batch_e = jnp.searchsorted(edge_slices, jnp.arange(n), side="right") - 1
    # scatter(x, batch_e, reduce='sum', dim_size=n_batch)
    xm = jax.ops.segment_sum(x, batch_e, num_segments=n_batch)
    # Lambda (linear, no bias)
    out = xm @ W.T
    return out

if __name__ == "__main__":
    import jax
    _d = setup_inputs()
    print(jax.jit(kernel)(*tuple(_d.values())))

</pallas_src>

<mosaic_0001>
#map = affine_map<(d0, d1) -> (0, 0)>
#map1 = affine_map<(d0, d1) -> (0, 0, 0)>
module attributes {stable_mosaic.version = 14 : i64} {
  func.func @_sc_body(%arg0: i32, %arg1: i32, %arg2: memref<320000x128xf32, #tpu.memory_space<hbm>>, %arg3: memref<2x16xi32, #tpu.memory_space<hbm>>, %arg4: memref<32x16x128xf32, #tpu.memory_space<hbm>>, %arg5: memref<200x128xf32, #tpu.memory_space<vmem>>, %arg6: memref<200x128xf32, #tpu.memory_space<vmem>>, %arg7: memref<2x16xi32, #tpu.memory_space<vmem>>, %arg8: memref<16x128xf32, #tpu.memory_space<vmem>>, %arg9: memref<!tpu.dma_semaphore, #tpu.memory_space<semaphore_mem>>, %arg10: memref<!tpu.dma_semaphore, #tpu.memory_space<semaphore_mem>>) attributes {dimension_semantics = [#tpu.dimension_semantics<core_parallel>, #tpu.dimension_semantics<subcore_parallel>], iteration_bounds = array<i64: 2, 16>, scalar_prefetch = 0 : i64, scratch_operands = 6 : i64, tpu.core_type = #tpu.core_type<sc_vector_subcore>, window_params = [{transform_indices = #map}, {transform_indices = #map}, {transform_indices = #map1}]} {
    %mul3A = arith.constant 16 : i32
    %mul3A_0 = arith.muli %arg0, %mul3A : i32
    %add3A = arith.addi %mul3A_0, %arg1 : i32
    %mul3A_1 = arith.constant 5600 : i32
    %mul3A_2 = arith.muli %add3A, %mul3A_1 : i32
    "tpu.region"() ({
      %run_scoped3A = tpu.sem_alloc : memref<!tpu.dma_semaphore, #tpu.memory_space<semaphore_mem>>
      tpu.enqueue_dma source(%arg3 : memref<2x16xi32, #tpu.memory_space<hbm>>) target(%arg7 : memref<2x16xi32, #tpu.memory_space<vmem>>) target_semaphore(%run_scoped3A : memref<!tpu.dma_semaphore, #tpu.memory_space<semaphore_mem>>)
      tpu.wait_dma2 semaphore(%run_scoped3A : memref<!tpu.dma_semaphore, #tpu.memory_space<semaphore_mem>>) src(%arg3 : memref<2x16xi32, #tpu.memory_space<hbm>>) dst(%arg7 : memref<2x16xi32, #tpu.memory_space<vmem>>)
      tpu.yield
    }) : () -> ()
    %get3A = arith.constant 0 : i32
    %get3A_3 = arith.index_cast %get3A : i32 to index
    %get3A_4 = arith.constant 0 : index
    %get3A_5 = tpu.vector_load %arg7[%get3A_3, %get3A_4] {strides = array<i32>} : memref<2x16xi32, #tpu.memory_space<vmem>>, vector<16xi32>,
    %get3A_6 = arith.constant 1 : i32
    %get3A_7 = arith.index_cast %get3A_6 : i32 to index
    %get3A_8 = arith.constant 0 : index
    %get3A_9 = tpu.vector_load %arg7[%get3A_7, %get3A_8] {strides = array<i32>} : memref<2x16xi32, #tpu.memory_space<vmem>>, vector<16xi32>,
    %broadcast_in_dim3A = arith.constant 0.000000e+00 : f32
    %broadcast_in_dim3A_10 = vector.broadcast %broadcast_in_dim3A : f32 to vector<16xf32>
    %swap3A = arith.constant 0 : i32
    %swap3A_11 = arith.index_cast %swap3A : i32 to index
    %swap3A_12 = arith.constant 0 : index
    %swap3A_13 = tpu.vector_load %arg8[%swap3A_11, %swap3A_12] {strides = array<i32>} : memref<16x128xf32, #tpu.memory_space<vmem>>, vector<16xf32>,
    tpu.vector_store %arg8[%swap3A_11, %swap3A_12], %broadcast_in_dim3A_10 {strides = array<i32>} : memref<16x128xf32, #tpu.memory_space<vmem>>, vector<16xf32>,
    %swap3A_14 = arith.constant 0 : i32
    %swap3A_15 = arith.index_cast %swap3A_14 : i32 to index
    %swap3A_16 = arith.constant 16 : index
    %swap3A_17 = tpu.vector_load %arg8[%swap3A_15, %swap3A_16] {strides = array<i32>} : memref<16x128xf32, #tpu.memory_space<vmem>>, vector<16xf32>,
    tpu.vector_store %arg8[%swap3A_15, %swap3A_16], %broadcast_in_dim3A_10 {strides = array<i32>} : memref<16x128xf32, #tpu.memory_space<vmem>>, vector<16xf32>,
    %swap3A_18 = arith.constant 0 : i32
    %swap3A_19 = arith.index_cast %swap3A_18 : i32 to index
    %swap3A_20 = arith.constant 32 : index
    %swap3A_21 = tpu.vector_load %arg8[%swap3A_19, %swap3A_20] {strides = array<i32>} : memref<16x128xf32, #tpu.memory_space<vmem>>, vector<16xf32>,
    tpu.vector_store %arg8[%swap3A_19, %swap3A_20], %broadcast_in_dim3A_10 {strides = array<i32>} : memref<16x128xf32, #tpu.memory_space<vmem>>, vector<16xf32>,
    %swap3A_22 = arith.constant 0 : i32
    %swap3A_23 = arith.index_cast %swap3A_22 : i32 to index
    %swap3A_24 = arith.constant 48 : index
    %swap3A_25 = tpu.vector_load %arg8[%swap3A_23, %swap3A_24] {strides = array<i32>} : memref<16x128xf32, #tpu.memory_space<vmem>>, vector<16xf32>,
    tpu.vector_store %arg8[%swap3A_23, %swap3A_24], %broadcast_in_dim3A_10 {strides = array<i32>} : memref<16x128xf32, #tpu.memory_space<vmem>>, vector<16xf32>,
    %swap3A_26 = arith.constant 0 : i32
    %swap3A_27 = arith.index_cast %swap3A_26 : i32 to index
    %swap3A_28 = arith.constant 64 : index
    %swap3A_29 = tpu.vector_load %arg8[%swap3A_27, %swap3A_28] {strides = array<i32>} : memref<16x128xf32, #tpu.memory_space<vmem>>, vector<16xf32>,
    tpu.vector_store %arg8[%swap3A_27, %swap3A_28], %broadcast_in_dim3A_10 {strides = array<i32>} : memref<16x128xf32, #tpu.memory_space<vmem>>, vector<16xf32>,
    %swap3A_30 = arith.constant 0 : i32
    %swap3A_31 = arith.index_cast %swap3A_30 : i32 to index
    %swap3A_32 = arith.constant 80 : index
    %swap3A_33 = tpu.vector_load %arg8[%swap3A_31, %swap3A_32] {strides = array<i32>} : memref<16x128xf32, #tpu.memory_space<vmem>>, vector<16xf32>,
    tpu.vector_store %arg8[%swap3A_31, %swap3A_32], %broadcast_in_dim3A_10 {strides = array<i32>} : memref<16x128xf32, #tpu.memory_space<vmem>>, vector<16xf32>,
    %swap3A_34 = arith.constant 0 : i32
    %swap3A_35 = arith.index_cast %swap3A_34 : i32 to index
    %swap3A_36 = arith.constant 96 : index
    %swap3A_37 = tpu.vector_load %arg8[%swap3A_35, %swap3A_36] {strides = array<i32>} : memref<16x128xf32, #tpu.memory_space<vmem>>, vector<16xf32>,
    tpu.vector_store %arg8[%swap3A_35, %swap3A_36], %broadcast_in_dim3A_10 {strides = array<i32>} : memref<16x128xf32, #tpu.memory_space<vmem>>, vector<16xf32>,
    %swap3A_38 = arith.constant 0 : i32
    %swap3A_39 = arith.index_cast %swap3A_38 : i32 to index
    %swap3A_40 = arith.constant 112 : index
    %swap3A_41 = tpu.vector_load %arg8[%swap3A_39, %swap3A_40] {strides = array<i32>} : memref<16x128xf32, #tpu.memory_space<vmem>>, vector<16xf32>,
    tpu.vector_store %arg8[%swap3A_39, %swap3A_40], %broadcast_in_dim3A_10 {strides = array<i32>} : memref<16x128xf32, #tpu.memory_space<vmem>>, vector<16xf32>,
    %swap3A_42 = arith.constant 1 : i32
    %swap3A_43 = arith.index_cast %swap3A_42 : i32 to index
    %swap3A_44 = arith.constant 0 : index
    %swap3A_45 = tpu.vector_load %arg8[%swap3A_43, %swap3A_44] {strides = array<i32>} : memref<16x128xf32, #tpu.memory_space<vmem>>, vector<16xf32>,
    tpu.vector_store %arg8[%swap3A_43, %swap3A_44], %broadcast_in_dim3A_10 {strides = array<i32>} : memref<16x128xf32, #tpu.memory_space<vmem>>, vector<16xf32>,
    %swap3A_46 = arith.constant 1 : i32
    %swap3A_47 = arith.index_cast %swap3A_46 : i32 to index
    %swap3A_48 = arith.constant 16 : index
    %swap3A_49 = tpu.vector_load %arg8[%swap3A_47, %swap3A_48] {strides = array<i32>} : memref<16x128xf32, #tpu.memory_space<vmem>>, vector<16xf32>,
    tpu.vector_store %arg8[%swap3A_47, %swap3A_48], %broadcast_in_dim3A_10 {strides = array<i32>} : memref<16x128xf32, #tpu.memory_space<vmem>>, vector<16xf32>,
    %swap3A_50 = arith.constant 1 : i32
    %swap3A_51 = arith.index_cast %swap3A_50 : i32 to index
    %swap3A_52 = arith.constant 32 : index
    %swap3A_53 = tpu.vector_load %arg8[%swap3A_51, %swap3A_52] {strides = array<i32>} : memref<16x128xf32, #tpu.memory_space<vmem>>, vector<16xf32>,
    tpu.vector_store %arg8[%swap3A_51, %swap3A_52], %broadcast_in_dim3A_10 {strides = array<i32>} : memref<16x128xf32, #tpu.memory_space<vmem>>, vector<16xf32>,
    %swap3A_54 = arith.constant 1 : i32
    %swap3A_55 = arith.index_cast %swap3A_54 : i32 to index
    %swap3A_56 = arith.constant 48 : index
    %swap3A_57 = tpu.vector_load %arg8[%swap3A_55, %swap3A_56] {strides = array<i32>} : memref<16x128xf32, #tpu.memory_space<vmem>>, vector<16xf32>,
    tpu.vector_store %arg8[%swap3A_55, %swap3A_56], %broadcast_in_dim3A_10 {strides = array<i32>} : memref<16x128xf32, #tpu.memory_space<vmem>>, vector<16xf32>,
    %swap3A_58 = arith.constant 1 : i32
    %swap3A_59 = arith.index_cast %swap3A_58 : i32 to index
    %swap3A_60 = arith.constant 64 : index
    %swap3A_61 = tpu.vector_load %arg8[%swap3A_59, %swap3A_60] {strides = array<i32>} : memref<16x128xf32, #tpu.memory_space<vmem>>, vector<16xf32>,
    tpu.vector_store %arg8[%swap3A_59, %swap3A_60], %broadcast_in_dim3A_10 {strides = array<i32>} : memref<16x128xf32, #tpu.memory_space<vmem>>, vector<16xf32>,
    %swap3A_62 = arith.constant 1 : i32
    %swap3A_63 = arith.index_cast %swap3A_62 : i32 to index
    %swap3A_64 = arith.constant 80 : index
    %swap3A_65 = tpu.vector_load %arg8[%swap3A_63, %swap3A_64] {strides = array<i32>} : memref<16x128xf32, #tpu.memory_space<vmem>>, vector<16xf32>,
    tpu.vector_store %arg8[%swap3A_63, %swap3A_64], %broadcast_in_dim3A_10 {strides = array<i32>} : memref<16x128xf32, #tpu.memory_space<vmem>>, vector<16xf32>,
    %swap3A_66 = arith.constant 1 : i32
    %swap3A_67 = arith.index_cast %swap3A_66 : i32 to index
    %swap3A_68 = arith.constant 96 : index
    %swap3A_69 = tpu.vector_load %arg8[%swap3A_67, %swap3A_68] {strides = array<i32>} : memref<16x128xf32, #tpu.memory_space<vmem>>, vector<16xf32>,
    tpu.vector_store %arg8[%swap3A_67, %swap3A_68], %broadcast_in_dim3A_10 {strides = array<i32>} : memref<16x128xf32, #tpu.memory_space<vmem>>, vector<16xf32>,
    %swap3A_70 = arith.constant 1 : i32
    %swap3A_71 = arith.index_cast %swap3A_70 : i32 to index
    %swap3A_72 = arith.constant 112 : index
    %swap3A_73 = tpu.vector_load %arg8[%swap3A_71, %swap3A_72] {strides = array<i32>} : memref<16x128xf32, #tpu.memory_space<vmem>>, vector<16xf32>,
    tpu.vector_store %arg8[%swap3A_71, %swap3A_72], %broadcast_in_dim3A_10 {strides = array<i32>} : memref<16x128xf32, #tpu.memory_space<vmem>>, vector<16xf32>,
    %swap3A_74 = arith.constant 2 : i32
    %swap3A_75 = arith.index_cast %swap3A_74 : i32 to index
    %swap3A_76 = arith.constant 0 : index
    %swap3A_77 = tpu.vector_load %arg8[%swap3A_75, %swap3A_76] {strides = array<i32>} : memref<16x128xf32, #tpu.memory_space<vmem>>, vector<16xf32>,
    tpu.vector_store %arg8[%swap3A_75, %swap3A_76], %broadcast_in_dim3A_10 {strides = array<i32>} : memref<16x128xf32, #tpu.memory_space<vmem>>, vector<16xf32>,
    %swap3A_78 = arith.constant 2 : i32
    %swap3A_79 = arith.index_cast %swap3A_78 : i32 to index
    %swap3A_80 = arith.constant 16 : index
    %swap3A_81 = tpu.vector_load %arg8[%swap3A_79, %swap3A_80] {strides = array<i32>} : memref<16x128xf32, #tpu.memory_space<vmem>>, vector<16xf32>,
    tpu.vector_store %arg8[%swap3A_79, %swap3A_80], %broadcast_in_dim3A_10 {strides = array<i32>} : memref<16x128xf32, #tpu.memory_space<vmem>>, vector<16xf32>,
    %swap3A_82 = arith.constant 2 : i32
    %swap3A_83 = arith.index_cast %swap3A_82 : i32 to index
    %swap3A_84 = arith.constant 32 : index
    %swap3A_85 = tpu.vector_load %arg8[%swap3A_83, %swap3A_84] {strides = array<i32>} : memref<16x128xf32, #tpu.memory_space<vmem>>, vector<16xf32>,
    tpu.vector_store %arg8[%swap3A_83, %swap3A_84], %broadcast_in_dim3A_10 {strides = array<i32>} : memref<16x128xf32, #tpu.memory_space<vmem>>, vector<16xf32>,
    %swap3A_86 = arith.constant 2 : i32
    %swap3A_87 = arith.index_cast %swap3A_86 : i32 to index
    %swap3A_88 = arith.constant 48 : index
    %swap3A_89 = tpu.vector_load %arg8[%swap3A_87, %swap3A_88] {strides = array<i32>} : memref<16x128xf32, #tpu.memory_space<vmem>>, vector<16xf32>,
    tpu.vector_store %arg8[%swap3A_87, %swap3A_88], %broadcast_in_dim3A_10 {strides = array<i32>} : memref<16x128xf32, #tpu.memory_space<vmem>>, vector<16xf32>,
    %swap3A_90 = arith.constant 2 : i32
    %swap3A_91 = arith.index_cast %swap3A_90 : i32 to index
    %swap3A_92 = arith.constant 64 : index
    %swap3A_93 = tpu.vector_load %arg8[%swap3A_91, %swap3A_92] {strides = array<i32>} : memref<16x128xf32, #tpu.memory_space<vmem>>, vector<16xf32>,
    tpu.vector_store %arg8[%swap3A_91, %swap3A_92], %broadcast_in_dim3A_10 {strides = array<i32>} : memref<16x128xf32, #tpu.memory_space<vmem>>, vector<16xf32>,
    %swap3A_94 = arith.constant 2 : i32
    %swap3A_95 = arith.index_cast %swap3A_94 : i32 to index
    %swap3A_96 = arith.constant 80 : index
    %swap3A_97 = tpu.vector_load %arg8[%swap3A_95, %swap3A_96] {strides = array<i32>} : memref<16x128xf32, #tpu.memory_space<vmem>>, vector<16xf32>,
    tpu.vector_store %arg8[%swap3A_95, %swap3A_96], %broadcast_in_dim3A_10 {strides = array<i32>} : memref<16x128xf32, #tpu.memory_space<vmem>>, vector<16xf32>,
    %swap3A_98 = arith.constant 2 : i32
    %swap3A_99 = arith.index_cast %swap3A_98 : i32 to index
    %swap3A_100 = arith.constant 96 : index
    %swap3A_101 = tpu.vector_load %arg8[%swap3A_99, %swap3A_100] {strides = array<i32>} : memref<16x128xf32, #tpu.memory_space<vmem>>, vector<16xf32>,
    tpu.vector_store %arg8[%swap3A_99, %swap3A_100], %broadcast_in_dim3A_10 {strides = array<i32>} : memref<16x128xf32, #tpu.memory_space<vmem>>, vector<16xf32>,
    %swap3A_102 = arith.constant 2 : i32
    %swap3A_103 = arith.index_cast %swap3A_102 : i32 to index
    %swap3A_104 = arith.constant 112 : index
    %swap3A_105 = tpu.vector_load %arg8[%swap3A_103, %swap3A_104] {strides = array<i32>} : memref<16x128xf32, #tpu.memory_space<vmem>>, vector<16xf32>,
    tpu.vector_store %arg8[%swap3A_103, %swap3A_104], %broadcast_in_dim3A_10 {strides = array<i32>} : memref<16x128xf32, #tpu.memory_space<vmem>>, vector<16xf32>,
    %swap3A_106 = arith.constant 3 : i32
    %swap3A_107 = arith.index_cast %swap3A_106 : i32 to index
    %swap3A_108 = arith.constant 0 : index
    %swap3A_109 = tpu.vector_load %arg8[%swap3A_107, %swap3A_108] {strides = array<i32>} : memref<16x128xf32, #tpu.memory_space<vmem>>, vector<16xf32>,
    tpu.vector_store %arg8[%swap3A_107, %swap3A_108], %broadcast_in_dim3A_10 {strides = array<i32>} : memref<16x128xf32, #tpu.memory_space<vmem>>, vector<16xf32>,
    %swap3A_110 = arith.constant 3 : i32
    %swap3A_111 = arith.index_cast %swap3A_110 : i32 to index
    %swap3A_112 = arith.constant 16 : index
    %swap3A_113 = tpu.vector_load %arg8[%swap3A_111, %swap3A_112] {strides = array<i32>} : memref<16x128xf32, #tpu.memory_space<vmem>>, vector<16xf32>,
    tpu.vector_store %arg8[%swap3A_111, %swap3A_112], %broadcast_in_dim3A_10 {strides = array<i32>} : memref<16x128xf32, #tpu.memory_space<vmem>>, vector<16xf32>,
    %swap3A_114 = arith.constant 3 : i32
    %swap3A_115 = arith.index_cast %swap3A_114 : i32 to index
    %swap3A_116 = arith.constant 32 : index
    %swap3A_117 = tpu.vector_load %arg8[%swap3A_115, %swap3A_116] {strides = array<i32>} : memref<16x128xf32, #tpu.memory_space<vmem>>, vector<16xf32>,
    tpu.vector_store %arg8[%swap3A_115, %swap3A_116], %broadcast_in_dim3A_10 {strides = array<i32>} : memref<16x128xf32, #tpu.memory_space<vmem>>, vector<16xf32>,
    %swap3A_118 = arith.constant 3 : i32
    %swap3A_119 = arith.index_cast %swap3A_118 : i32 to index
    %swap3A_120 = arith.constant 48 : index
    %swap3A_121 = tpu.vector_load %arg8[%swap3A_119, %swap3A_120] {strides = array<i32>} : memref<16x128xf32, #tpu.memory_space<vmem>>, vector<16xf32>,
    tpu.vector_store %arg8[%swap3A_119, %swap3A_120], %broadcast_in_dim3A_10 {strides = array<i32>} : memref<16x128xf32, #tpu.memory_space<vmem>>, vector<16xf32>,
    %swap3A_122 = arith.constant 3 : i32
    %swap3A_123 = arith.index_cast %swap3A_122 : i32 to index
    %swap3A_124 = arith.constant 64 : index
    %swap3A_125 = tpu.vector_load %arg8[%swap3A_123, %swap3A_124] {strides = array<i32>} : memref<16x128xf32, #tpu.memory_space<vmem>>, vector<16xf32>,
    tpu.vector_store %arg8[%swap3A_123, %swap3A_124], %broadcast_in_dim3A_10 {strides = array<i32>} : memref<16x128xf32, #tpu.memory_space<vmem>>, vector<16xf32>,
    %swap3A_126 = arith.constant 3 : i32
    %swap3A_127 = arith.index_cast %swap3A_126 : i32 to index
    %swap3A_128 = arith.constant 80 : index
    %swap3A_129 = tpu.vector_load %arg8[%swap3A_127, %swap3A_128] {strides = array<i32>} : memref<16x128xf32, #tpu.memory_space<vmem>>, vector<16xf32>,
    tpu.vector_store %arg8[%swap3A_127, %swap3A_128], %broadcast_in_dim3A_10 {strides = array<i32>} : memref<16x128xf32, #tpu.memory_space<vmem>>, vector<16xf32>,
    %swap3A_130 = arith.constant 3 : i32
    %swap3A_131 = arith.index_cast %swap3A_130 : i32 to index
    %swap3A_132 = arith.constant 96 : index
    %swap3A_133 = tpu.vector_load %arg8[%swap3A_131, %swap3A_132] {strides = array<i32>} : memref<16x128xf32, #tpu.memory_space<vmem>>, vector<16xf32>,
    tpu.vector_store %arg8[%swap3A_131, %swap3A_132], %broadcast_in_dim3A_10 {strides = array<i32>} : memref<16x128xf32, #tpu.memory_space<vmem>>, vector<16xf32>,
    %swap3A_134 = arith.constant 3 : i32
    %swap3A_135 = arith.index_cast %swap3A_134 : i32 to index
    %swap3A_136 = arith.constant 112 : index
    %swap3A_137 = tpu.vector_load %arg8[%swap3A_135, %swap3A_136] {strides = array<i32>} : memref<16x128xf32, #tpu.memory_space<vmem>>, vector<16xf32>,
    tpu.vector_store %arg8[%swap3A_135, %swap3A_136], %broadcast_in_dim3A_10 {strides = array<i32>} : memref<16x128xf32, #tpu.memory_space<vmem>>, vector<16xf32>,
    %swap3A_138 = arith.constant 4 : i32
    %swap3A_139 = arith.index_cast %swap3A_138 : i32 to index
    %swap3A_140 = arith.constant 0 : index
    %swap3A_141 = tpu.vector_load %arg8[%swap3A_139, %swap3A_140] {strides = array<i32>} : memref<16x128xf32, #tpu.memory_space<vmem>>, vector<16xf32>,
    tpu.vector_store %arg8[%swap3A_139, %swap3A_140], %broadcast_in_dim3A_10 {strides = array<i32>} : memref<16x128xf32, #tpu.memory_space<vmem>>, vector<16xf32>,
    %swap3A_142 = arith.constant 4 : i32
    %swap3A_143 = arith.index_cast %swap3A_142 : i32 to index
    %swap3A_144 = arith.constant 16 : index
    %swap3A_145 = tpu.vector_load %arg8[%swap3A_143, %swap3A_144] {strides = array<i32>} : memref<16x128xf32, #tpu.memory_space<vmem>>, vector<16xf32>,
    tpu.vector_store %arg8[%swap3A_143, %swap3A_144], %broadcast_in_dim3A_10 {strides = array<i32>} : memref<16x128xf32, #tpu.memory_space<vmem>>, vector<16xf32>,
    %swap3A_146 = arith.constant 4 : i32
    %swap3A_147 = arith.index_cast %swap3A_146 : i32 to index
    %swap3A_148 = arith.constant 32 : index
    %swap3A_149 = tpu.vector_load %arg8[%swap3A_147, %swap3A_148] {strides = array<i32>} : memref<16x128xf32, #tpu.memory_space<vmem>>, vector<16xf32>,
    tpu.vector_store %arg8[%swap3A_147, %swap3A_148], %broadcast_in_dim3A_10 {strides = array<i32>} : memref<16x128xf32, #tpu.memory_space<vmem>>, vector<16xf32>,
    %swap3A_150 = arith.constant 4 : i32
    %swap3A_151 = arith.index_cast %swap3A_150 : i32 to index
    %swap3A_152 = arith.constant 48 : index
    %swap3A_153 = tpu.vector_load %arg8[%swap3A_151, %swap3A_152] {strides = array<i32>} : memref<16x128xf32, #tpu.memory_space<vmem>>, vector<16xf32>,
    tpu.vector_store %arg8[%swap3A_151, %swap3A_152], %broadcast_in_dim3A_10 {strides = array<i32>} : memref<16x128xf32, #tpu.memory_space<vmem>>, vector<16xf32>,
    %swap3A_154 = arith.constant 4 : i32
    %swap3A_155 = arith.index_cast %swap3A_154 : i32 to index
    %swap3A_156 = arith.constant 64 : index
    %swap3A_157 = tpu.vector_load %arg8[%swap3A_155, %swap3A_156] {strides = array<i32>} : memref<16x128xf32, #tpu.memory_space<vmem>>, vector<16xf32>,
    tpu.vector_store %arg8[%swap3A_155, %swap3A_156], %broadcast_in_dim3A_10 {strides = array<i32>} : memref<16x128xf32, #tpu.memory_space<vmem>>, vector<16xf32>,
    %swap3A_158 = arith.constant 4 : i32
    %swap3A_159 = arith.index_cast %swap3A_158 : i32 to index
    %swap3A_160 = arith.constant 80 : index
    %swap3A_161 = tpu.vector_load %arg8[%swap3A_159, %swap3A_160] {strides = array<i32>} : memref<16x128xf32, #tpu.memory_space<vmem>>, vector<16xf32>,
    tpu.vector_store %arg8[%swap3A_159, %swap3A_160], %broadcast_in_dim3A_10 {strides = array<i32>} : memref<16x128xf32, #tpu.memory_space<vmem>>, vector<16xf32>,
    %swap3A_162 = arith.constant 4 : i32
    %swap3A_163 = arith.index_cast %swap3A_162 : i32 to index
    %swap3A_164 = arith.constant 96 : index
    %swap3A_165 = tpu.vector_load %arg8[%swap3A_163, %swap3A_164] {strides = array<i32>} : memref<16x128xf32, #tpu.memory_space<vmem>>, vector<16xf32>,
    tpu.vector_store %arg8[%swap3A_163, %swap3A_164], %broadcast_in_dim3A_10 {strides = array<i32>} : memref<16x128xf32, #tpu.memory_space<vmem>>, vector<16xf32>,
    %swap3A_166 = arith.constant 4 : i32
    %swap3A_167 = arith.index_cast %swap3A_166 : i32 to index
    %swap3A_168 = arith.constant 112 : index
    %swap3A_169 = tpu.vector_load %arg8[%swap3A_167, %swap3A_168] {strides = array<i32>} : memref<16x128xf32, #tpu.memory_space<vmem>>, vector<16xf32>,
    tpu.vector_store %arg8[%swap3A_167, %swap3A_168], %broadcast_in_dim3A_10 {strides = array<i32>} : memref<16x128xf32, #tpu.memory_space<vmem>>, vector<16xf32>,
    %swap3A_170 = arith.constant 5 : i32
    %swap3A_171 = arith.index_cast %swap3A_170 : i32 to index
    %swap3A_172 = arith.constant 0 : index
    %swap3A_173 = tpu.vector_load %arg8[%swap3A_171, %swap3A_172] {strides = array<i32>} : memref<16x128xf32, #tpu.memory_space<vmem>>, vector<16xf32>,
    tpu.vector_store %arg8[%swap3A_171, %swap3A_172], %broadcast_in_dim3A_10 {strides = array<i32>} : memref<16x128xf32, #tpu.memory_space<vmem>>, vector<16xf32>,
    %swap3A_174 = arith.constant 5 : i32
    %swap3A_175 = arith.index_cast %swap3A_174 : i32 to index
    %swap3A_176 = arith.constant 16 : index
    %swap3A_177 = tpu.vector_load %arg8[%swap3A_175, %swap3A_176] {strides = array<i32>} : memref<16x128xf32, #tpu.memory_space<vmem>>, vector<16xf32>,
    tpu.vector_store %arg8[%swap3A_175, %swap3A_176], %broadcast_in_dim3A_10 {strides = array<i32>} : memref<16x128xf32, #tpu.memory_space<vmem>>, vector<16xf32>,
    %swap3A_178 = arith.constant 5 : i32
    %swap3A_179 = arith.index_cast %swap3A_178 : i32 to index
    %swap3A_180 = arith.constant 32 : index
    %swap3A_181 = tpu.vector_load %arg8[%swap3A_179, %swap3A_180] {strides = array<i32>} : memref<16x128xf32, #tpu.memory_space<vmem>>, vector<16xf32>,
    tpu.vector_store %arg8[%swap3A_179, %swap3A_180], %broadcast_in_dim3A_10 {strides = array<i32>} : memref<16x128xf32, #tpu.memory_space<vmem>>, vector<16xf32>,
    %swap3A_182 = arith.constant 5 : i32
    %swap3A_183 = arith.index_cast %swap3A_182 : i32 to index
    %swap3A_184 = arith.constant 48 : index
    %swap3A_185 = tpu.vector_load %arg8[%swap3A_183, %swap3A_184] {strides = array<i32>} : memref<16x128xf32, #tpu.memory_space<vmem>>, vector<16xf32>,
    tpu.vector_store %arg8[%swap3A_183, %swap3A_184], %broadcast_in_dim3A_10 {strides = array<i32>} : memref<16x128xf32, #tpu.memory_space<vmem>>, vector<16xf32>,
    %swap3A_186 = arith.constant 5 : i32
    %swap3A_187 = arith.index_cast %swap3A_186 : i32 to index
    %swap3A_188 = arith.constant 64 : index
    %swap3A_189 = tpu.vector_load %arg8[%swap3A_187, %swap3A_188] {strides = array<i32>} : memref<16x128xf32, #tpu.memory_space<vmem>>, vector<16xf32>,
    tpu.vector_store %arg8[%swap3A_187, %swap3A_188], %broadcast_in_dim3A_10 {strides = array<i32>} : memref<16x128xf32, #tpu.memory_space<vmem>>, vector<16xf32>,
    %swap3A_190 = arith.constant 5 : i32
    %swap3A_191 = arith.index_cast %swap3A_190 : i32 to index
    %swap3A_192 = arith.constant 80 : index
    %swap3A_193 = tpu.vector_load %arg8[%swap3A_191, %swap3A_192] {strides = array<i32>} : memref<16x128xf32, #tpu.memory_space<vmem>>, vector<16xf32>,
    tpu.vector_store %arg8[%swap3A_191, %swap3A_192], %broadcast_in_dim3A_10 {strides = array<i32>} : memref<16x128xf32, #tpu.memory_space<vmem>>, vector<16xf32>,
    %swap3A_194 = arith.constant 5 : i32
    %swap3A_195 = arith.index_cast %swap3A_194 : i32 to index
    %swap3A_196 = arith.constant 96 : index
    %swap3A_197 = tpu.vector_load %arg8[%swap3A_195, %swap3A_196] {strides = array<i32>} : memref<16x128xf32, #tpu.memory_space<vmem>>, vector<16xf32>,
    tpu.vector_store %arg8[%swap3A_195, %swap3A_196], %broadcast_in_dim3A_10 {strides = array<i32>} : memref<16x128xf32, #tpu.memory_space<vmem>>, vector<16xf32>,
    %swap3A_198 = arith.constant 5 : i32
    %swap3A_199 = arith.index_cast %swap3A_198 : i32 to index
    %swap3A_200 = arith.constant 112 : index
    %swap3A_201 = tpu.vector_load %arg8[%swap3A_199, %swap3A_200] {strides = array<i32>} : memref<16x128xf32, #tpu.memory_space<vmem>>, vector<16xf32>,
    tpu.vector_store %arg8[%swap3A_199, %swap3A_200], %broadcast_in_dim3A_10 {strides = array<i32>} : memref<16x128xf32, #tpu.memory_space<vmem>>, vector<16xf32>,
    %swap3A_202 = arith.constant 6 : i32
    %swap3A_203 = arith.index_cast %swap3A_202 : i32 to index
    %swap3A_204 = arith.constant 0 : index
    %swap3A_205 = tpu.vector_load %arg8[%swap3A_203, %swap3A_204] {strides = array<i32>} : memref<16x128xf32, #tpu.memory_space<vmem>>, vector<16xf32>,
    tpu.vector_store %arg8[%swap3A_203, %swap3A_204], %broadcast_in_dim3A_10 {strides = array<i32>} : memref<16x128xf32, #tpu.memory_space<vmem>>, vector<16xf32>,
    %swap3A_206 = arith.constant 6 : i32
    %swap3A_207 = arith.index_cast %swap3A_206 : i32 to index
    %swap3A_208 = arith.constant 16 : index
    %swap3A_209 = tpu.vector_load %arg8[%swap3A_207, %swap3A_208] {strides = array<i32>} : memref<16x128xf32, #tpu.memory_space<vmem>>, vector<16xf32>,
    tpu.vector_store %arg8[%swap3A_207, %swap3A_208], %broadcast_in_dim3A_10 {strides = array<i32>} : memref<16x128xf32, #tpu.memory_space<vmem>>, vector<16xf32>,
    %swap3A_210 = arith.constant 6 : i32
    %swap3A_211 = arith.index_cast %swap3A_210 : i32 to index
    %swap3A_212 = arith.constant 32 : index
    %swap3A_213 = tpu.vector_load %arg8[%swap3A_211, %swap3A_212] {strides = array<i32>} : memref<16x128xf32, #tpu.memory_space<vmem>>, vector<16xf32>,
    tpu.vector_store %arg8[%swap3A_211, %swap3A_212], %broadcast_in_dim3A_10 {strides = array<i32>} : memref<16x128xf32, #tpu.memory_space<vmem>>, vector<16xf32>,
    %swap3A_214 = arith.constant 6 : i32
    %swap3A_215 = arith.index_cast %swap3A_214 : i32 to index
    %swap3A_216 = arith.constant 48 : index
    %swap3A_217 = tpu.vector_load %arg8[%swap3A_215, %swap3A_216] {strides = array<i32>} : memref<16x128xf32, #tpu.memory_space<vmem>>, vector<16xf32>,
    tpu.vector_store %arg8[%swap3A_215, %swap3A_216], %broadcast_in_dim3A_10 {strides = array<i32>} : memref<16x128xf32, #tpu.memory_space<vmem>>, vector<16xf32>,
    %swap3A_218 = arith.constant 6 : i32
    %swap3A_219 = arith.index_cast %swap3A_218 : i32 to index
    %swap3A_220 = arith.constant 64 : index
    %swap3A_221 = tpu.vector_load %arg8[%swap3A_219, %swap3A_220] {strides = array<i32>} : memref<16x128xf32, #tpu.memory_space<vmem>>, vector<16xf32>,
    tpu.vector_store %arg8[%swap3A_219, %swap3A_220], %broadcast_in_dim3A_10 {strides = array<i32>} : memref<16x128xf32, #tpu.memory_space<vmem>>, vector<16xf32>,
    %swap3A_222 = arith.constant 6 : i32
    %swap3A_223 = arith.index_cast %swap3A_222 : i32 to index
    %swap3A_224 = arith.constant 80 : index
    %swap3A_225 = tpu.vector_load %arg8[%swap3A_223, %swap3A_224] {strides = array<i32>} : memref<16x128xf32, #tpu.memory_space<vmem>>, vector<16xf32>,
    tpu.vector_store %arg8[%swap3A_223, %swap3A_224], %broadcast_in_dim3A_10 {strides = array<i32>} : memref<16x128xf32, #tpu.memory_space<vmem>>, vector<16xf32>,
    %swap3A_226 = arith.constant 6 : i32
    %swap3A_227 = arith.index_cast %swap3A_226 : i32 to index
    %swap3A_228 = arith.constant 96 : index
    %swap3A_229 = tpu.vector_load %arg8[%swap3A_227, %swap3A_228] {strides = array<i32>} : memref<16x128xf32, #tpu.memory_space<vmem>>, vector<16xf32>,
    tpu.vector_store %arg8[%swap3A_227, %swap3A_228], %broadcast_in_dim3A_10 {strides = array<i32>} : memref<16x128xf32, #tpu.memory_space<vmem>>, vector<16xf32>,
    %swap3A_230 = arith.constant 6 : i32
    %swap3A_231 = arith.index_cast %swap3A_230 : i32 to index
    %swap3A_232 = arith.constant 112 : index
    %swap3A_233 = tpu.vector_load %arg8[%swap3A_231, %swap3A_232] {strides = array<i32>} : memref<16x128xf32, #tpu.memory_space<vmem>>, vector<16xf32>,
    tpu.vector_store %arg8[%swap3A_231, %swap3A_232], %broadcast_in_dim3A_10 {strides = array<i32>} : memref<16x128xf32, #tpu.memory_space<vmem>>, vector<16xf32>,
    %swap3A_234 = arith.constant 7 : i32
    %swap3A_235 = arith.index_cast %swap3A_234 : i32 to index
    %swap3A_236 = arith.constant 0 : index
    %swap3A_237 = tpu.vector_load %arg8[%swap3A_235, %swap3A_236] {strides = array<i32>} : memref<16x128xf32, #tpu.memory_space<vmem>>, vector<16xf32>,
    tpu.vector_store %arg8[%swap3A_235, %swap3A_236], %broadcast_in_dim3A_10 {strides = array<i32>} : memref<16x128xf32, #tpu.memory_space<vmem>>, vector<16xf32>,
    %swap3A_238 = arith.constant 7 : i32
    %swap3A_239 = arith.index_cast %swap3A_238 : i32 to index
    %swap3A_240 = arith.constant 16 : index
    %swap3A_241 = tpu.vector_load %arg8[%swap3A_239, %swap3A_240] {strides = array<i32>} : memref<16x128xf32, #tpu.memory_space<vmem>>, vector<16xf32>,
    tpu.vector_store %arg8[%swap3A_239, %swap3A_240], %broadcast_in_dim3A_10 {strides = array<i32>} : memref<16x128xf32, #tpu.memory_space<vmem>>, vector<16xf32>,
    %swap3A_242 = arith.constant 7 : i32
    %swap3A_243 = arith.index_cast %swap3A_242 : i32 to index
    %swap3A_244 = arith.constant 32 : index
    %swap3A_245 = tpu.vector_load %arg8[%swap3A_243, %swap3A_244] {strides = array<i32>} : memref<16x128xf32, #tpu.memory_space<vmem>>, vector<16xf32>,
    tpu.vector_store %arg8[%swap3A_243, %swap3A_244], %broadcast_in_dim3A_10 {strides = array<i32>} : memref<16x128xf32, #tpu.memory_space<vmem>>, vector<16xf32>,
    %swap3A_246 = arith.constant 7 : i32
    %swap3A_247 = arith.index_cast %swap3A_246 : i32 to index
    %swap3A_248 = arith.constant 48 : index
    %swap3A_249 = tpu.vector_load %arg8[%swap3A_247, %swap3A_248] {strides = array<i32>} : memref<16x128xf32, #tpu.memory_space<vmem>>, vector<16xf32>,
    tpu.vector_store %arg8[%swap3A_247, %swap3A_248], %broadcast_in_dim3A_10 {strides = array<i32>} : memref<16x128xf32, #tpu.memory_space<vmem>>, vector<16xf32>,
    %swap3A_250 = arith.constant 7 : i32
    %swap3A_251 = arith.index_cast %swap3A_250 : i32 to index
    %swap3A_252 = arith.constant 64 : index
    %swap3A_253 = tpu.vector_load %arg8[%swap3A_251, %swap3A_252] {strides = array<i32>} : memref<16x128xf32, #tpu.memory_space<vmem>>, vector<16xf32>,
    tpu.vector_store %arg8[%swap3A_251, %swap3A_252], %broadcast_in_dim3A_10 {strides = array<i32>} : memref<16x128xf32, #tpu.memory_space<vmem>>, vector<16xf32>,
    %swap3A_254 = arith.constant 7 : i32
    %swap3A_255 = arith.index_cast %swap3A_254 : i32 to index
    %swap3A_256 = arith.constant 80 : index
    %swap3A_257 = tpu.vector_load %arg8[%swap3A_255, %swap3A_256] {strides = array<i32>} : memref<16x128xf32, #tpu.memory_space<vmem>>, vector<16xf32>,
    tpu.vector_store %arg8[%swap3A_255, %swap3A_256], %broadcast_in_dim3A_10 {strides = array<i32>} : memref<16x128xf32, #tpu.memory_space<vmem>>, vector<16xf32>,
    %swap3A_258 = arith.constant 7 : i32
    %swap3A_259 = arith.index_cast %swap3A_258 : i32 to index
    %swap3A_260 = arith.constant 96 : index
    %swap3A_261 = tpu.vector_load %arg8[%swap3A_259, %swap3A_260] {strides = array<i32>} : memref<16x128xf32, #tpu.memory_space<vmem>>, vector<16xf32>,
    tpu.vector_store %arg8[%swap3A_259, %swap3A_260], %broadcast_in_dim3A_10 {strides = array<i32>} : memref<16x128xf32, #tpu.memory_space<vmem>>, vector<16xf32>,
    %swap3A_262 = arith.constant 7 : i32
    %swap3A_263 = arith.index_cast %swap3A_262 : i32 to index
    %swap3A_264 = arith.constant 112 : index
    %swap3A_265 = tpu.vector_load %arg8[%swap3A_263, %swap3A_264] {strides = array<i32>} : memref<16x128xf32, #tpu.memory_space<vmem>>, vector<16xf32>,
    tpu.vector_store %arg8[%swap3A_263, %swap3A_264], %broadcast_in_dim3A_10 {strides = array<i32>} : memref<16x128xf32, #tpu.memory_space<vmem>>, vector<16xf32>,
    %swap3A_266 = arith.constant 8 : i32
    %swap3A_267 = arith.index_cast %swap3A_266 : i32 to index
    %swap3A_268 = arith.constant 0 : index
    %swap3A_269 = tpu.vector_load %arg8[%swap3A_267, %swap3A_268] {strides = array<i32>} : memref<16x128xf32, #tpu.memory_space<vmem>>, vector<16xf32>,
    tpu.vector_store %arg8[%swap3A_267, %swap3A_268], %broadcast_in_dim3A_10 {strides = array<i32>} : memref<16x128xf32, #tpu.memory_space<vmem>>, vector<16xf32>,
    %swap3A_270 = arith.constant 8 : i32
    %swap3A_271 = arith.index_cast %swap3A_270 : i32 to index
    %swap3A_272 = arith.constant 16 : index
    %swap3A_273 = tpu.vector_load %arg8[%swap3A_271, %swap3A_272] {strides = array<i32>} : memref<16x128xf32, #tpu.memory_space<vmem>>, vector<16xf32>,
    tpu.vector_store %arg8[%swap3A_271, %swap3A_272], %broadcast_in_dim3A_10 {strides = array<i32>} : memref<16x128xf32, #tpu.memory_space<vmem>>, vector<16xf32>,
    %swap3A_274 = arith.constant 8 : i32
    %swap3A_275 = arith.index_cast %swap3A_274 : i32 to index
    %swap3A_276 = arith.constant 32 : index
    %swap3A_277 = tpu.vector_load %arg8[%swap3A_275, %swap3A_276] {strides = array<i32>} : memref<16x128xf32, #tpu.memory_space<vmem>>, vector<16xf32>,
    tpu.vector_store %arg8[%swap3A_275, %swap3A_276], %broadcast_in_dim3A_10 {strides = array<i32>} : memref<16x128xf32, #tpu.memory_space<vmem>>, vector<16xf32>,
    %swap3A_278 = arith.constant 8 : i32
    %swap3A_279 = arith.index_cast %swap3A_278 : i32 to index
    %swap3A_280 = arith.constant 48 : index
    %swap3A_281 = tpu.vector_load %arg8[%swap3A_279, %swap3A_280] {strides = array<i32>} : memref<16x128xf32, #tpu.memory_space<vmem>>, vector<16xf32>,
    tpu.vector_store %arg8[%swap3A_279, %swap3A_280], %broadcast_in_dim3A_10 {strides = array<i32>} : memref<16x128xf32, #tpu.memory_space<vmem>>, vector<16xf32>,
    %swap3A_282 = arith.constant 8 : i32
    %swap3A_283 = arith.index_cast %swap3A_282 : i32 to index
    %swap3A_284 = arith.constant 64 : index
    %swap3A_285 = tpu.vector_load %arg8[%swap3A_283, %swap3A_284] {strides = array<i32>} : memref<16x128xf32, #tpu.memory_space<vmem>>, vector<16xf32>,
    tpu.vector_store %arg8[%swap3A_283, %swap3A_284], %broadcast_in_dim3A_10 {strides = array<i32>} : memref<16x128xf32, #tpu.memory_space<vmem>>, vector<16xf32>,
    %swap3A_286 = arith.constant 8 : i32
    %swap3A_287 = arith.index_cast %swap3A_286 : i32 to index
    %swap3A_288 = arith.constant 80 : index
    %swap3A_289 = tpu.vector_load %arg8[%swap3A_287, %swap3A_288] {strides = array<i32>} : memref<16x128xf32, #tpu.memory_space<vmem>>, vector<16xf32>,
    tpu.vector_store %arg8[%swap3A_287, %swap3A_288], %broadcast_in_dim3A_10 {strides = array<i32>} : memref<16x128xf32, #tpu.memory_space<vmem>>, vector<16xf32>,
    %swap3A_290 = arith.constant 8 : i32
    %swap3A_291 = arith.index_cast %swap3A_290 : i32 to index
    %swap3A_292 = arith.constant 96 : index
    %swap3A_293 = tpu.vector_load %arg8[%swap3A_291, %swap3A_292] {strides = array<i32>} : memref<16x128xf32, #tpu.memory_space<vmem>>, vector<16xf32>,
    tpu.vector_store %arg8[%swap3A_291, %swap3A_292], %broadcast_in_dim3A_10 {strides = array<i32>} : memref<16x128xf32, #tpu.memory_space<vmem>>, vector<16xf32>,
    %swap3A_294 = arith.constant 8 : i32
    %swap3A_295 = arith.index_cast %swap3A_294 : i32 to index
    %swap3A_296 = arith.constant 112 : index
    %swap3A_297 = tpu.vector_load %arg8[%swap3A_295, %swap3A_296] {strides = array<i32>} : memref<16x128xf32, #tpu.memory_space<vmem>>, vector<16xf32>,
    tpu.vector_store %arg8[%swap3A_295, %swap3A_296], %broadcast_in_dim3A_10 {strides = array<i32>} : memref<16x128xf32, #tpu.memory_space<vmem>>, vector<16xf32>,
    %swap3A_298 = arith.constant 9 : i32
    %swap3A_299 = arith.index_cast %swap3A_298 : i32 to index
    %swap3A_300 = arith.constant 0 : index
    %swap3A_301 = tpu.vector_load %arg8[%swap3A_299, %swap3A_300] {strides = array<i32>} : memref<16x128xf32, #tpu.memory_space<vmem>>, vector<16xf32>,
    tpu.vector_store %arg8[%swap3A_299, %swap3A_300], %broadcast_in_dim3A_10 {strides = array<i32>} : memref<16x128xf32, #tpu.memory_space<vmem>>, vector<16xf32>,
    %swap3A_302 = arith.constant 9 : i32
    %swap3A_303 = arith.index_cast %swap3A_302 : i32 to index
    %swap3A_304 = arith.constant 16 : index
    %swap3A_305 = tpu.vector_load %arg8[%swap3A_303, %swap3A_304] {strides = array<i32>} : memref<16x128xf32, #tpu.memory_space<vmem>>, vector<16xf32>,
    tpu.vector_store %arg8[%swap3A_303, %swap3A_304], %broadcast_in_dim3A_10 {strides = array<i32>} : memref<16x128xf32, #tpu.memory_space<vmem>>, vector<16xf32>,
    %swap3A_306 = arith.constant 9 : i32
    %swap3A_307 = arith.index_cast %swap3A_306 : i32 to index
    %swap3A_308 = arith.constant 32 : index
    %swap3A_309 = tpu.vector_load %arg8[%swap3A_307, %swap3A_308] {strides = array<i32>} : memref<16x128xf32, #tpu.memory_space<vmem>>, vector<16xf32>,
    tpu.vector_store %arg8[%swap3A_307, %swap3A_308], %broadcast_in_dim3A_10 {strides = array<i32>} : memref<16x128xf32, #tpu.memory_space<vmem>>, vector<16xf32>,
    %swap3A_310 = arith.constant 9 : i32
    %swap3A_311 = arith.index_cast %swap3A_310 : i32 to index
    %swap3A_312 = arith.constant 48 : index
    %swap3A_313 = tpu.vector_load %arg8[%swap3A_311, %swap3A_312] {strides = array<i32>} : memref<16x128xf32, #tpu.memory_space<vmem>>, vector<16xf32>,
    tpu.vector_store %arg8[%swap3A_311, %swap3A_312], %broadcast_in_dim3A_10 {strides = array<i32>} : memref<16x128xf32, #tpu.memory_space<vmem>>, vector<16xf32>,
    %swap3A_314 = arith.constant 9 : i32
    %swap3A_315 = arith.index_cast %swap3A_314 : i32 to index
    %swap3A_316 = arith.constant 64 : index
    %swap3A_317 = tpu.vector_load %arg8[%swap3A_315, %swap3A_316] {strides = array<i32>} : memref<16x128xf32, #tpu.memory_space<vmem>>, vector<16xf32>,
    tpu.vector_store %arg8[%swap3A_315, %swap3A_316], %broadcast_in_dim3A_10 {strides = array<i32>} : memref<16x128xf32, #tpu.memory_space<vmem>>, vector<16xf32>,
    %swap3A_318 = arith.constant 9 : i32
    %swap3A_319 = arith.index_cast %swap3A_318 : i32 to index
    %swap3A_320 = arith.constant 80 : index
    %swap3A_321 = tpu.vector_load %arg8[%swap3A_319, %swap3A_320] {strides = array<i32>} : memref<16x128xf32, #tpu.memory_space<vmem>>, vector<16xf32>,
    tpu.vector_store %arg8[%swap3A_319, %swap3A_320], %broadcast_in_dim3A_10 {strides = array<i32>} : memref<16x128xf32, #tpu.memory_space<vmem>>, vector<16xf32>,
    %swap3A_322 = arith.constant 9 : i32
    %swap3A_323 = arith.index_cast %swap3A_322 : i32 to index
    %swap3A_324 = arith.constant 96 : index
    %swap3A_325 = tpu.vector_load %arg8[%swap3A_323, %swap3A_324] {strides = array<i32>} : memref<16x128xf32, #tpu.memory_space<vmem>>, vector<16xf32>,
    tpu.vector_store %arg8[%swap3A_323, %swap3A_324], %broadcast_in_dim3A_10 {strides = array<i32>} : memref<16x128xf32, #tpu.memory_space<vmem>>, vector<16xf32>,
    %swap3A_326 = arith.constant 9 : i32
    %swap3A_327 = arith.index_cast %swap3A_326 : i32 to index
    %swap3A_328 = arith.constant 112 : index
    %swap3A_329 = tpu.vector_load %arg8[%swap3A_327, %swap3A_328] {strides = array<i32>} : memref<16x128xf32, #tpu.memory_space<vmem>>, vector<16xf32>,
    tpu.vector_store %arg8[%swap3A_327, %swap3A_328], %broadcast_in_dim3A_10 {strides = array<i32>} : memref<16x128xf32, #tpu.memory_space<vmem>>, vector<16xf32>,
    %swap3A_330 = arith.constant 10 : i32
    %swap3A_331 = arith.index_cast %swap3A_330 : i32 to index
    %swap3A_332 = arith.constant 0 : index
    %swap3A_333 = tpu.vector_load %arg8[%swap3A_331, %swap3A_332] {strides = array<i32>} : memref<16x128xf32, #tpu.memory_space<vmem>>, vector<16xf32>,
    tpu.vector_store %arg8[%swap3A_331, %swap3A_332], %broadcast_in_dim3A_10 {strides = array<i32>} : memref<16x128xf32, #tpu.memory_space<vmem>>, vector<16xf32>,
    %swap3A_334 = arith.constant 10 : i32
    %swap3A_335 = arith.index_cast %swap3A_334 : i32 to index
    %swap3A_336 = arith.constant 16 : index
    %swap3A_337 = tpu.vector_load %arg8[%swap3A_335, %swap3A_336] {strides = array<i32>} : memref<16x128xf32, #tpu.memory_space<vmem>>, vector<16xf32>,
    tpu.vector_store %arg8[%swap3A_335, %swap3A_336], %broadcast_in_dim3A_10 {strides = array<i32>} : memref<16x128xf32, #tpu.memory_space<vmem>>, vector<16xf32>,
    %swap3A_338 = arith.constant 10 : i32
    %swap3A_339 = arith.index_cast %swap3A_338 : i32 to index
    %swap3A_340 = arith.constant 32 : index
    %swap3A_341 = tpu.vector_load %arg8[%swap3A_339, %swap3A_340] {strides = array<i32>} : memref<16x128xf32, #tpu.memory_space<vmem>>, vector<16xf32>,
    tpu.vector_store %arg8[%swap3A_339, %swap3A_340], %broadcast_in_dim3A_10 {strides = array<i32>} : memref<16x128xf32, #tpu.memory_space<vmem>>, vector<16xf32>,
    %swap3A_342 = arith.constant 10 : i32
    %swap3A_343 = arith.index_cast %swap3A_342 : i32 to index
    %swap3A_344 = arith.constant 48 : index
    %swap3A_345 = tpu.vector_load %arg8[%swap3A_343, %swap3A_344] {strides = array<i32>} : memref<16x128xf32, #tpu.memory_space<vmem>>, vector<16xf32>,
    tpu.vector_store %arg8[%swap3A_343, %swap3A_344], %broadcast_in_dim3A_10 {strides = array<i32>} : memref<16x128xf32, #tpu.memory_space<vmem>>, vector<16xf32>,
    %swap3A_346 = arith.constant 10 : i32
    %swap3A_347 = arith.index_cast %swap3A_346 : i32 to index
    %swap3A_348 = arith.constant 64 : index
    %swap3A_349 = tpu.vector_load %arg8[%swap3A_347, %swap3A_348] {strides = array<i32>} : memref<16x128xf32, #tpu.memory_space<vmem>>, vector<16xf32>,
    tpu.vector_store %arg8[%swap3A_347, %swap3A_348], %broadcast_in_dim3A_10 {strides = array<i32>} : memref<16x128xf32, #tpu.memory_space<vmem>>, vector<16xf32>,
    %swap3A_350 = arith.constant 10 : i32
    %swap3A_351 = arith.index_cast %swap3A_350 : i32 to index
    %swap3A_352 = arith.constant 80 : index
    %swap3A_353 = tpu.vector_load %arg8[%swap3A_351, %swap3A_352] {strides = array<i32>} : memref<16x128xf32, #tpu.memory_space<vmem>>, vector<16xf32>,
    tpu.vector_store %arg8[%swap3A_351, %swap3A_352], %broadcast_in_dim3A_10 {strides = array<i32>} : memref<16x128xf32, #tpu.memory_space<vmem>>, vector<16xf32>,
    %swap3A_354 = arith.constant 10 : i32
    %swap3A_355 = arith.index_cast %swap3A_354 : i32 to index
    %swap3A_356 = arith.constant 96 : index
    %swap3A_357 = tpu.vector_load %arg8[%swap3A_355, %swap3A_356] {strides = array<i32>} : memref<16x128xf32, #tpu.memory_space<vmem>>, vector<16xf32>,
    tpu.vector_store %arg8[%swap3A_355, %swap3A_356], %broadcast_in_dim3A_10 {strides = array<i32>} : memref<16x128xf32, #tpu.memory_space<vmem>>, vector<16xf32>,
    %swap3A_358 = arith.constant 10 : i32
    %swap3A_359 = arith.index_cast %swap3A_358 : i32 to index
    %swap3A_360 = arith.constant 112 : index
    %swap3A_361 = tpu.vector_load %arg8[%swap3A_359, %swap3A_360] {strides = array<i32>} : memref<16x128xf32, #tpu.memory_space<vmem>>, vector<16xf32>,
    tpu.vector_store %arg8[%swap3A_359, %swap3A_360], %broadcast_in_dim3A_10 {strides = array<i32>} : memref<16x128xf32, #tpu.memory_space<vmem>>, vector<16xf32>,
    %swap3A_362 = arith.constant 11 : i32
    %swap3A_363 = arith.index_cast %swap3A_362 : i32 to index
    %swap3A_364 = arith.constant 0 : index
    %swap3A_365 = tpu.vector_load %arg8[%swap3A_363, %swap3A_364] {strides = array<i32>} : memref<16x128xf32, #tpu.memory_space<vmem>>, vector<16xf32>,
    tpu.vector_store %arg8[%swap3A_363, %swap3A_364], %broadcast_in_dim3A_10 {strides = array<i32>} : memref<16x128xf32, #tpu.memory_space<vmem>>, vector<16xf32>,
    %swap3A_366 = arith.constant 11 : i32
    %swap3A_367 = arith.index_cast %swap3A_366 : i32 to index
    %swap3A_368 = arith.constant 16 : index
    %swap3A_369 = tpu.vector_load %arg8[%swap3A_367, %swap3A_368] {strides = array<i32>} : memref<16x128xf32, #tpu.memory_space<vmem>>, vector<16xf32>,
    tpu.vector_store %arg8[%swap3A_367, %swap3A_368], %broadcast_in_dim3A_10 {strides = array<i32>} : memref<16x128xf32, #tpu.memory_space<vmem>>, vector<16xf32>,
    %swap3A_370 = arith.constant 11 : i32
    %swap3A_371 = arith.index_cast %swap3A_370 : i32 to index
    %swap3A_372 = arith.constant 32 : index
    %swap3A_373 = tpu.vector_load %arg8[%swap3A_371, %swap3A_372] {strides = array<i32>} : memref<16x128xf32, #tpu.memory_space<vmem>>, vector<16xf32>,
    tpu.vector_store %arg8[%swap3A_371, %swap3A_372], %broadcast_in_dim3A_10 {strides = array<i32>} : memref<16x128xf32, #tpu.memory_space<vmem>>, vector<16xf32>,
    %swap3A_374 = arith.constant 11 : i32
    %swap3A_375 = arith.index_cast %swap3A_374 : i32 to index
    %swap3A_376 = arith.constant 48 : index
    %swap3A_377 = tpu.vector_load %arg8[%swap3A_375, %swap3A_376] {strides = array<i32>} : memref<16x128xf32, #tpu.memory_space<vmem>>, vector<16xf32>,
    tpu.vector_store %arg8[%swap3A_375, %swap3A_376], %broadcast_in_dim3A_10 {strides = array<i32>} : memref<16x128xf32, #tpu.memory_space<vmem>>, vector<16xf32>,
    %swap3A_378 = arith.constant 11 : i32
    %swap3A_379 = arith.index_cast %swap3A_378 : i32 to index
    %swap3A_380 = arith.constant 64 : index
    %swap3A_381 = tpu.vector_load %arg8[%swap3A_379, %swap3A_380] {strides = array<i32>} : memref<16x128xf32, #tpu.memory_space<vmem>>, vector<16xf32>,
    tpu.vector_store %arg8[%swap3A_379, %swap3A_380], %broadcast_in_dim3A_10 {strides = array<i32>} : memref<16x128xf32, #tpu.memory_space<vmem>>, vector<16xf32>,
    %swap3A_382 = arith.constant 11 : i32
    %swap3A_383 = arith.index_cast %swap3A_382 : i32 to index
    %swap3A_384 = arith.constant 80 : index
    %swap3A_385 = tpu.vector_load %arg8[%swap3A_383, %swap3A_384] {strides = array<i32>} : memref<16x128xf32, #tpu.memory_space<vmem>>, vector<16xf32>,
    tpu.vector_store %arg8[%swap3A_383, %swap3A_384], %broadcast_in_dim3A_10 {strides = array<i32>} : memref<16x128xf32, #tpu.memory_space<vmem>>, vector<16xf32>,
    %swap3A_386 = arith.constant 11 : i32
    %swap3A_387 = arith.index_cast %swap3A_386 : i32 to index
    %swap3A_388 = arith.constant 96 : index
    %swap3A_389 = tpu.vector_load %arg8[%swap3A_387, %swap3A_388] {strides = array<i32>} : memref<16x128xf32, #tpu.memory_space<vmem>>, vector<16xf32>,
    tpu.vector_store %arg8[%swap3A_387, %swap3A_388], %broadcast_in_dim3A_10 {strides = array<i32>} : memref<16x128xf32, #tpu.memory_space<vmem>>, vector<16xf32>,
    %swap3A_390 = arith.constant 11 : i32
    %swap3A_391 = arith.index_cast %swap3A_390 : i32 to index
    %swap3A_392 = arith.constant 112 : index
    %swap3A_393 = tpu.vector_load %arg8[%swap3A_391, %swap3A_392] {strides = array<i32>} : memref<16x128xf32, #tpu.memory_space<vmem>>, vector<16xf32>,
    tpu.vector_store %arg8[%swap3A_391, %swap3A_392], %broadcast_in_dim3A_10 {strides = array<i32>} : memref<16x128xf32, #tpu.memory_space<vmem>>, vector<16xf32>,
    %swap3A_394 = arith.constant 12 : i32
    %swap3A_395 = arith.index_cast %swap3A_394 : i32 to index
    %swap3A_396 = arith.constant 0 : index
    %swap3A_397 = tpu.vector_load %arg8[%swap3A_395, %swap3A_396] {strides = array<i32>} : memref<16x128xf32, #tpu.memory_space<vmem>>, vector<16xf32>,
    tpu.vector_store %arg8[%swap3A_395, %swap3A_396], %broadcast_in_dim3A_10 {strides = array<i32>} : memref<16x128xf32, #tpu.memory_space<vmem>>, vector<16xf32>,
    %swap3A_398 = arith.constant 12 : i32
    %swap3A_399 = arith.index_cast %swap3A_398 : i32 to index
    %swap3A_400 = arith.constant 16 : index
    %swap3A_401 = tpu.vector_load %arg8[%swap3A_399, %swap3A_400] {strides = array<i32>} : memref<16x128xf32, #tpu.memory_space<vmem>>, vector<16xf32>,
    tpu.vector_store %arg8[%swap3A_399, %swap3A_400], %broadcast_in_dim3A_10 {strides = array<i32>} : memref<16x128xf32, #tpu.memory_space<vmem>>, vector<16xf32>,
    %swap3A_402 = arith.constant 12 : i32
    %swap3A_403 = arith.index_cast %swap3A_402 : i32 to index
    %swap3A_404 = arith.constant 32 : index
    %swap3A_405 = tpu.vector_load %arg8[%swap3A_403, %swap3A_404] {strides = array<i32>} : memref<16x128xf32, #tpu.memory_space<vmem>>, vector<16xf32>,
    tpu.vector_store %arg8[%swap3A_403, %swap3A_404], %broadcast_in_dim3A_10 {strides = array<i32>} : memref<16x128xf32, #tpu.memory_space<vmem>>, vector<16xf32>,
    %swap3A_406 = arith.constant 12 : i32
    %swap3A_407 = arith.index_cast %swap3A_406 : i32 to index
    %swap3A_408 = arith.constant 48 : index
    %swap3A_409 = tpu.vector_load %arg8[%swap3A_407, %swap3A_408] {strides = array<i32>} : memref<16x128xf32, #tpu.memory_space<vmem>>, vector<16xf32>,
    tpu.vector_store %arg8[%swap3A_407, %swap3A_408], %broadcast_in_dim3A_10 {strides = array<i32>} : memref<16x128xf32, #tpu.memory_space<vmem>>, vector<16xf32>,
    %swap3A_410 = arith.constant 12 : i32
    %swap3A_411 = arith.index_cast %swap3A_410 : i32 to index
    %swap3A_412 = arith.constant 64 : index
    %swap3A_413 = tpu.vector_load %arg8[%swap3A_411, %swap3A_412] {strides = array<i32>} : memref<16x128xf32, #tpu.memory_space<vmem>>, vector<16xf32>,
    tpu.vector_store %arg8[%swap3A_411, %swap3A_412], %broadcast_in_dim3A_10 {strides = array<i32>} : memref<16x128xf32, #tpu.memory_space<vmem>>, vector<16xf32>,
    %swap3A_414 = arith.constant 12 : i32
    %swap3A_415 = arith.index_cast %swap3A_414 : i32 to index
    %swap3A_416 = arith.constant 80 : index
    %swap3A_417 = tpu.vector_load %arg8[%swap3A_415, %swap3A_416] {strides = array<i32>} : memref<16x128xf32, #tpu.memory_space<vmem>>, vector<16xf32>,
    tpu.vector_store %arg8[%swap3A_415, %swap3A_416], %broadcast_in_dim3A_10 {strides = array<i32>} : memref<16x128xf32, #tpu.memory_space<vmem>>, vector<16xf32>,
    %swap3A_418 = arith.constant 12 : i32
    %swap3A_419 = arith.index_cast %swap3A_418 : i32 to index
    %swap3A_420 = arith.constant 96 : index
    %swap3A_421 = tpu.vector_load %arg8[%swap3A_419, %swap3A_420] {strides = array<i32>} : memref<16x128xf32, #tpu.memory_space<vmem>>, vector<16xf32>,
    tpu.vector_store %arg8[%swap3A_419, %swap3A_420], %broadcast_in_dim3A_10 {strides = array<i32>} : memref<16x128xf32, #tpu.memory_space<vmem>>, vector<16xf32>,
    %swap3A_422 = arith.constant 12 : i32
    %swap3A_423 = arith.index_cast %swap3A_422 : i32 to index
    %swap3A_424 = arith.constant 112 : index
    %swap3A_425 = tpu.vector_load %arg8[%swap3A_423, %swap3A_424] {strides = array<i32>} : memref<16x128xf32, #tpu.memory_space<vmem>>, vector<16xf32>,
    tpu.vector_store %arg8[%swap3A_423, %swap3A_424], %broadcast_in_dim3A_10 {strides = array<i32>} : memref<16x128xf32, #tpu.memory_space<vmem>>, vector<16xf32>,
    %swap3A_426 = arith.constant 13 : i32
    %swap3A_427 = arith.index_cast %swap3A_426 : i32 to index
    %swap3A_428 = arith.constant 0 : index
    %swap3A_429 = tpu.vector_load %arg8[%swap3A_427, %swap3A_428] {strides = array<i32>} : memref<16x128xf32, #tpu.memory_space<vmem>>, vector<16xf32>,
    tpu.vector_store %arg8[%swap3A_427, %swap3A_428], %broadcast_in_dim3A_10 {strides = array<i32>} : memref<16x128xf32, #tpu.memory_space<vmem>>, vector<16xf32>,
    %swap3A_430 = arith.constant 13 : i32
    %swap3A_431 = arith.index_cast %swap3A_430 : i32 to index
    %swap3A_432 = arith.constant 16 : index
    %swap3A_433 = tpu.vector_load %arg8[%swap3A_431, %swap3A_432] {strides = array<i32>} : memref<16x128xf32, #tpu.memory_space<vmem>>, vector<16xf32>,
    tpu.vector_store %arg8[%swap3A_431, %swap3A_432], %broadcast_in_dim3A_10 {strides = array<i32>} : memref<16x128xf32, #tpu.memory_space<vmem>>, vector<16xf32>,
    %swap3A_434 = arith.constant 13 : i32
    %swap3A_435 = arith.index_cast %swap3A_434 : i32 to index
    %swap3A_436 = arith.constant 32 : index
    %swap3A_437 = tpu.vector_load %arg8[%swap3A_435, %swap3A_436] {strides = array<i32>} : memref<16x128xf32, #tpu.memory_space<vmem>>, vector<16xf32>,
    tpu.vector_store %arg8[%swap3A_435, %swap3A_436], %broadcast_in_dim3A_10 {strides = array<i32>} : memref<16x128xf32, #tpu.memory_space<vmem>>, vector<16xf32>,
    %swap3A_438 = arith.constant 13 : i32
    %swap3A_439 = arith.index_cast %swap3A_438 : i32 to index
    %swap3A_440 = arith.constant 48 : index
    %swap3A_441 = tpu.vector_load %arg8[%swap3A_439, %swap3A_440] {strides = array<i32>} : memref<16x128xf32, #tpu.memory_space<vmem>>, vector<16xf32>,
    tpu.vector_store %arg8[%swap3A_439, %swap3A_440], %broadcast_in_dim3A_10 {strides = array<i32>} : memref<16x128xf32, #tpu.memory_space<vmem>>, vector<16xf32>,
    %swap3A_442 = arith.constant 13 : i32
    %swap3A_443 = arith.index_cast %swap3A_442 : i32 to index
    %swap3A_444 = arith.constant 64 : index
    %swap3A_445 = tpu.vector_load %arg8[%swap3A_443, %swap3A_444] {strides = array<i32>} : memref<16x128xf32, #tpu.memory_space<vmem>>, vector<16xf32>,
    tpu.vector_store %arg8[%swap3A_443, %swap3A_444], %broadcast_in_dim3A_10 {strides = array<i32>} : memref<16x128xf32, #tpu.memory_space<vmem>>, vector<16xf32>,
    %swap3A_446 = arith.constant 13 : i32
    %swap3A_447 = arith.index_cast %swap3A_446 : i32 to index
    %swap3A_448 = arith.constant 80 : index
    %swap3A_449 = tpu.vector_load %arg8[%swap3A_447, %swap3A_448] {strides = array<i32>} : memref<16x128xf32, #tpu.memory_space<vmem>>, vector<16xf32>,
    tpu.vector_store %arg8[%swap3A_447, %swap3A_448], %broadcast_in_dim3A_10 {strides = array<i32>} : memref<16x128xf32, #tpu.memory_space<vmem>>, vector<16xf32>,
    %swap3A_450 = arith.constant 13 : i32
    %swap3A_451 = arith.index_cast %swap3A_450 : i32 to index
    %swap3A_452 = arith.constant 96 : index
    %swap3A_453 = tpu.vector_load %arg8[%swap3A_451, %swap3A_452] {strides = array<i32>} : memref<16x128xf32, #tpu.memory_space<vmem>>, vector<16xf32>,
    tpu.vector_store %arg8[%swap3A_451, %swap3A_452], %broadcast_in_dim3A_10 {strides = array<i32>} : memref<16x128xf32, #tpu.memory_space<vmem>>, vector<16xf32>,
    %swap3A_454 = arith.constant 13 : i32
    %swap3A_455 = arith.index_cast %swap3A_454 : i32 to index
    %swap3A_456 = arith.constant 112 : index
    %swap3A_457 = tpu.vector_load %arg8[%swap3A_455, %swap3A_456] {strides = array<i32>} : memref<16x128xf32, #tpu.memory_space<vmem>>, vector<16xf32>,
    tpu.vector_store %arg8[%swap3A_455, %swap3A_456], %broadcast_in_dim3A_10 {strides = array<i32>} : memref<16x128xf32, #tpu.memory_space<vmem>>, vector<16xf32>,
    %swap3A_458 = arith.constant 14 : i32
    %swap3A_459 = arith.index_cast %swap3A_458 : i32 to index
    %swap3A_460 = arith.constant 0 : index
    %swap3A_461 = tpu.vector_load %arg8[%swap3A_459, %swap3A_460] {strides = array<i32>} : memref<16x128xf32, #tpu.memory_space<vmem>>, vector<16xf32>,
    tpu.vector_store %arg8[%swap3A_459, %swap3A_460], %broadcast_in_dim3A_10 {strides = array<i32>} : memref<16x128xf32, #tpu.memory_space<vmem>>, vector<16xf32>,
    %swap3A_462 = arith.constant 14 : i32
    %swap3A_463 = arith.index_cast %swap3A_462 : i32 to index
    %swap3A_464 = arith.constant 16 : index
    %swap3A_465 = tpu.vector_load %arg8[%swap3A_463, %swap3A_464] {strides = array<i32>} : memref<16x128xf32, #tpu.memory_space<vmem>>, vector<16xf32>,
    tpu.vector_store %arg8[%swap3A_463, %swap3A_464], %broadcast_in_dim3A_10 {strides = array<i32>} : memref<16x128xf32, #tpu.memory_space<vmem>>, vector<16xf32>,
    %swap3A_466 = arith.constant 14 : i32
    %swap3A_467 = arith.index_cast %swap3A_466 : i32 to index
    %swap3A_468 = arith.constant 32 : index
    %swap3A_469 = tpu.vector_load %arg8[%swap3A_467, %swap3A_468] {strides = array<i32>} : memref<16x128xf32, #tpu.memory_space<vmem>>, vector<16xf32>,
    tpu.vector_store %arg8[%swap3A_467, %swap3A_468], %broadcast_in_dim3A_10 {strides = array<i32>} : memref<16x128xf32, #tpu.memory_space<vmem>>, vector<16xf32>,
    %swap3A_470 = arith.constant 14 : i32
    %swap3A_471 = arith.index_cast %swap3A_470 : i32 to index
    %swap3A_472 = arith.constant 48 : index
    %swap3A_473 = tpu.vector_load %arg8[%swap3A_471, %swap3A_472] {strides = array<i32>} : memref<16x128xf32, #tpu.memory_space<vmem>>, vector<16xf32>,
    tpu.vector_store %arg8[%swap3A_471, %swap3A_472], %broadcast_in_dim3A_10 {strides = array<i32>} : memref<16x128xf32, #tpu.memory_space<vmem>>, vector<16xf32>,
    %swap3A_474 = arith.constant 14 : i32
    %swap3A_475 = arith.index_cast %swap3A_474 : i32 to index
    %swap3A_476 = arith.constant 64 : index
    %swap3A_477 = tpu.vector_load %arg8[%swap3A_475, %swap3A_476] {strides = array<i32>} : memref<16x128xf32, #tpu.memory_space<vmem>>, vector<16xf32>,
    tpu.vector_store %arg8[%swap3A_475, %swap3A_476], %broadcast_in_dim3A_10 {strides = array<i32>} : memref<16x128xf32, #tpu.memory_space<vmem>>, vector<16xf32>,
    %swap3A_478 = arith.constant 14 : i32
    %swap3A_479 = arith.index_cast %swap3A_478 : i32 to index
    %swap3A_480 = arith.constant 80 : index
    %swap3A_481 = tpu.vector_load %arg8[%swap3A_479, %swap3A_480] {strides = array<i32>} : memref<16x128xf32, #tpu.memory_space<vmem>>, vector<16xf32>,
    tpu.vector_store %arg8[%swap3A_479, %swap3A_480], %broadcast_in_dim3A_10 {strides = array<i32>} : memref<16x128xf32, #tpu.memory_space<vmem>>, vector<16xf32>,
    %swap3A_482 = arith.constant 14 : i32
    %swap3A_483 = arith.index_cast %swap3A_482 : i32 to index
    %swap3A_484 = arith.constant 96 : index
    %swap3A_485 = tpu.vector_load %arg8[%swap3A_483, %swap3A_484] {strides = array<i32>} : memref<16x128xf32, #tpu.memory_space<vmem>>, vector<16xf32>,
    tpu.vector_store %arg8[%swap3A_483, %swap3A_484], %broadcast_in_dim3A_10 {strides = array<i32>} : memref<16x128xf32, #tpu.memory_space<vmem>>, vector<16xf32>,
    %swap3A_486 = arith.constant 14 : i32
    %swap3A_487 = arith.index_cast %swap3A_486 : i32 to index
    %swap3A_488 = arith.constant 112 : index
    %swap3A_489 = tpu.vector_load %arg8[%swap3A_487, %swap3A_488] {strides = array<i32>} : memref<16x128xf32, #tpu.memory_space<vmem>>, vector<16xf32>,
    tpu.vector_store %arg8[%swap3A_487, %swap3A_488], %broadcast_in_dim3A_10 {strides = array<i32>} : memref<16x128xf32, #tpu.memory_space<vmem>>, vector<16xf32>,
    %swap3A_490 = arith.constant 15 : i32
    %swap3A_491 = arith.index_cast %swap3A_490 : i32 to index
    %swap3A_492 = arith.constant 0 : index
    %swap3A_493 = tpu.vector_load %arg8[%swap3A_491, %swap3A_492] {strides = array<i32>} : memref<16x128xf32, #tpu.memory_space<vmem>>, vector<16xf32>,
    tpu.vector_store %arg8[%swap3A_491, %swap3A_492], %broadcast_in_dim3A_10 {strides = array<i32>} : memref<16x128xf32, #tpu.memory_space<vmem>>, vector<16xf32>,
    %swap3A_494 = arith.constant 15 : i32
    %swap3A_495 = arith.index_cast %swap3A_494 : i32 to index
    %swap3A_496 = arith.constant 16 : index
    %swap3A_497 = tpu.vector_load %arg8[%swap3A_495, %swap3A_496] {strides = array<i32>} : memref<16x128xf32, #tpu.memory_space<vmem>>, vector<16xf32>,
    tpu.vector_store %arg8[%swap3A_495, %swap3A_496], %broadcast_in_dim3A_10 {strides = array<i32>} : memref<16x128xf32, #tpu.memory_space<vmem>>, vector<16xf32>,
    %swap3A_498 = arith.constant 15 : i32
    %swap3A_499 = arith.index_cast %swap3A_498 : i32 to index
    %swap3A_500 = arith.constant 32 : index
    %swap3A_501 = tpu.vector_load %arg8[%swap3A_499, %swap3A_500] {strides = array<i32>} : memref<16x128xf32, #tpu.memory_space<vmem>>, vector<16xf32>,
    tpu.vector_store %arg8[%swap3A_499, %swap3A_500], %broadcast_in_dim3A_10 {strides = array<i32>} : memref<16x128xf32, #tpu.memory_space<vmem>>, vector<16xf32>,
    %swap3A_502 = arith.constant 15 : i32
    %swap3A_503 = arith.index_cast %swap3A_502 : i32 to index
    %swap3A_504 = arith.constant 48 : index
    %swap3A_505 = tpu.vector_load %arg8[%swap3A_503, %swap3A_504] {strides = array<i32>} : memref<16x128xf32, #tpu.memory_space<vmem>>, vector<16xf32>,
    tpu.vector_store %arg8[%swap3A_503, %swap3A_504], %broadcast_in_dim3A_10 {strides = array<i32>} : memref<16x128xf32, #tpu.memory_space<vmem>>, vector<16xf32>,
    %swap3A_506 = arith.constant 15 : i32
    %swap3A_507 = arith.index_cast %swap3A_506 : i32 to index
    %swap3A_508 = arith.constant 64 : index
    %swap3A_509 = tpu.vector_load %arg8[%swap3A_507, %swap3A_508] {strides = array<i32>} : memref<16x128xf32, #tpu.memory_space<vmem>>, vector<16xf32>,
    tpu.vector_store %arg8[%swap3A_507, %swap3A_508], %broadcast_in_dim3A_10 {strides = array<i32>} : memref<16x128xf32, #tpu.memory_space<vmem>>, vector<16xf32>,
    %swap3A_510 = arith.constant 15 : i32
    %swap3A_511 = arith.index_cast %swap3A_510 : i32 to index
    %swap3A_512 = arith.constant 80 : index
    %swap3A_513 = tpu.vector_load %arg8[%swap3A_511, %swap3A_512] {strides = array<i32>} : memref<16x128xf32, #tpu.memory_space<vmem>>, vector<16xf32>,
    tpu.vector_store %arg8[%swap3A_511, %swap3A_512], %broadcast_in_dim3A_10 {strides = array<i32>} : memref<16x128xf32, #tpu.memory_space<vmem>>, vector<16xf32>,
    %swap3A_514 = arith.constant 15 : i32
    %swap3A_515 = arith.index_cast %swap3A_514 : i32 to index
    %swap3A_516 = arith.constant 96 : index
    %swap3A_517 = tpu.vector_load %arg8[%swap3A_515, %swap3A_516] {strides = array<i32>} : memref<16x128xf32, #tpu.memory_space<vmem>>, vector<16xf32>,
    tpu.vector_store %arg8[%swap3A_515, %swap3A_516], %broadcast_in_dim3A_10 {strides = array<i32>} : memref<16x128xf32, #tpu.memory_space<vmem>>, vector<16xf32>,
    %swap3A_518 = arith.constant 15 : i32
    %swap3A_519 = arith.index_cast %swap3A_518 : i32 to index
    %swap3A_520 = arith.constant 112 : index
    %swap3A_521 = tpu.vector_load %arg8[%swap3A_519, %swap3A_520] {strides = array<i32>} : memref<16x128xf32, #tpu.memory_space<vmem>>, vector<16xf32>,
    tpu.vector_store %arg8[%swap3A_519, %swap3A_520], %broadcast_in_dim3A_10 {strides = array<i32>} : memref<16x128xf32, #tpu.memory_space<vmem>>, vector<16xf32>,
    %add3A_522 = arith.constant 0 : i32
    %add3A_523 = arith.addi %mul3A_2, %add3A_522 : i32
    %dma_start3A = arith.constant 0 : i32
    %dma_start3A_524 = tpu.memref_slice %arg2[%add3A_523, %dma_start3A] : memref<320000x128xf32, #tpu.memory_space<hbm>> -> memref<200x128xf32, #tpu.memory_space<hbm>>
    %dma_start3A_525 = arith.constant 0 : i32
    %dma_start3A_526 = tpu.memref_slice %arg2[%add3A_523, %dma_start3A_525] : memref<320000x128xf32, #tpu.memory_space<hbm>> -> memref<200x128xf32, #tpu.memory_space<hbm>>
    tpu.enqueue_dma source(%dma_start3A_526 : memref<200x128xf32, #tpu.memory_space<hbm>>) target(%arg5 : memref<200x128xf32, #tpu.memory_space<vmem>>) target_semaphore(%arg9 : memref<!tpu.dma_semaphore, #tpu.memory_space<semaphore_mem>>)
    %add3A_527 = arith.constant 200 : i32
    %add3A_528 = arith.addi %mul3A_2, %add3A_527 : i32
    %dma_start3A_529 = arith.constant 0 : i32
    %dma_start3A_530 = tpu.memref_slice %arg2[%add3A_528, %dma_start3A_529] : memref<320000x128xf32, #tpu.memory_space<hbm>> -> memref<200x128xf32, #tpu.memory_space<hbm>>
    %dma_start3A_531 = arith.constant 0 : i32
    %dma_start3A_532 = tpu.memref_slice %arg2[%add3A_528, %dma_start3A_531] : memref<320000x128xf32, #tpu.memory_space<hbm>> -> memref<200x128xf32, #tpu.memory_space<hbm>>
    tpu.enqueue_dma source(%dma_start3A_532 : memref<200x128xf32, #tpu.memory_space<hbm>>) target(%arg6 : memref<200x128xf32, #tpu.memory_space<vmem>>) target_semaphore(%arg10 : memref<!tpu.dma_semaphore, #tpu.memory_space<semaphore_mem>>)
    %iota3A = tpu.iota {dimensions = array<i32: 0>} : vector<16xi32>
    %broadcast_in_dim3A_533 = arith.constant 1 : i32
    %broadcast_in_dim3A_534 = vector.broadcast %broadcast_in_dim3A_533 : i32 to vector<16xi32>
    %broadcast_in_dim3A_535 = arith.constant 0 : i32
    %broadcast_in_dim3A_536 = vector.broadcast %broadcast_in_dim3A_535 : i32 to vector<16xi32>
    %scan3A = arith.constant 0 : i32
    %scan3A_537 = arith.constant 0 : i32
    %scan3A_538 = arith.constant 14 : i32
    %scan3A_539 = arith.addi %scan3A_537, %scan3A_538 : i32
    %scan3A_540 = arith.constant 1 : i32
    %scan3A_541 = scf.for %scan3A_543 = %scan3A_537 to %scan3A_539 step %scan3A_540 iter_args(%scan3A_544 = %scan3A) -> (i32)  : i32 {
      %mul3A_545 = arith.constant 2 : i32
      %mul3A_546 = arith.muli %mul3A_545, %scan3A_543 : i32
      %add3A_547 = arith.constant 0 : i32
      %add3A_548 = arith.addi %mul3A_546, %add3A_547 : i32
      %mul3A_549 = arith.constant 200 : i32
      %mul3A_550 = arith.muli %add3A_548, %mul3A_549 : i32
      %add3A_551 = arith.addi %mul3A_2, %mul3A_550 : i32
      %dma_wait3A = arith.constant 0 : i32
      %dma_wait3A_552 = tpu.memref_slice %arg2[%add3A_551, %dma_wait3A] : memref<320000x128xf32, #tpu.memory_space<hbm>> -> memref<200x128xf32, #tpu.memory_space<hbm>>
      %dma_wait3A_553 = arith.constant 0 : i32
      %dma_wait3A_554 = tpu.memref_slice %arg2[%add3A_551, %dma_wait3A_553] : memref<320000x128xf32, #tpu.memory_space<hbm>> -> memref<200x128xf32, #tpu.memory_space<hbm>>
      tpu.wait_dma2 semaphore(%arg9 : memref<!tpu.dma_semaphore, #tpu.memory_space<semaphore_mem>>) src(%dma_wait3A_554 : memref<200x128xf32, #tpu.memory_space<hbm>>) dst(%arg5 : memref<200x128xf32, #tpu.memory_space<vmem>>)
      %broadcast_in_dim3A_555 = vector.broadcast %add3A_551 : i32 to vector<16xi32>
      %le3A = arith.cmpi sle, %get3A_9, %broadcast_in_dim3A_555 : vector<16xi32>
      %select_n3A = arith.select %le3A, %broadcast_in_dim3A_534, %broadcast_in_dim3A_536 : vector<16xi1>, vector<16xi32>
      %reduce_sum3A = arith.constant true
      %reduce_sum3A_556 = vector.broadcast %reduce_sum3A : i1 to vector<16xi1>
      %reduce_sum3A_557 = tpu.scan <sum>, %select_n3A masked %reduce_sum3A_556 : vector<16xi32>, vector<16xi1> -> vector<16xi32>
      %reduce_sum3A_558 = vector.extract %reduce_sum3A_557[15] : i32 from vector<16xi32>
      %add3A_559 = arith.constant 199 : i32
      %add3A_560 = arith.addi %add3A_551, %add3A_559 : i32
      %broadcast_in_dim3A_561 = vector.broadcast %add3A_560 : i32 to vector<16xi32>
      %le3A_562 = arith.cmpi sle, %get3A_9, %broadcast_in_dim3A_561 : vector<16xi32>
      %select_n3A_563 = arith.select %le3A_562, %broadcast_in_dim3A_534, %broadcast_in_dim3A_536 : vector<16xi1>, vector<16xi32>
      %reduce_sum3A_564 = arith.constant true
      %reduce_sum3A_565 = vector.broadcast %reduce_sum3A_564 : i1 to vector<16xi1>
      %reduce_sum3A_566 = tpu.scan <sum>, %select_n3A_563 masked %reduce_sum3A_565 : vector<16xi32>, vector<16xi1> -> vector<16xi32>
      %reduce_sum3A_567 = vector.extract %reduce_sum3A_566[15] : i32 from vector<16xi32>
      %add3A_568 = arith.constant 1 : i32
      %add3A_569 = arith.addi %reduce_sum3A_567, %add3A_568 : i32
      %while3A = arith.constant 0 : i32
      %while3A_570 = arith.subi %add3A_569, %reduce_sum3A_558 : i32
      %while3A_571 = arith.addi %reduce_sum3A_558, %while3A_570 : i32
      %while3A_572 = arith.constant 1 : i32
      %while3A_573 = arith.divsi %while3A_570, %while3A_572 : i32
      %while3A_574 = arith.muli %while3A_573, %while3A_572 : i32
      %while3A_575 = arith.addi %reduce_sum3A_558, %while3A_574 : i32
      %while3A_576 = arith.constant 1 : i32
      %while3A_577 = scf.for %while3A_632 = %reduce_sum3A_558 to %while3A_575 step %while3A_576 iter_args(%while3A_633 = %while3A) -> (i32)  : i32 {
        %broadcast_in_dim3A_634 = vector.broadcast %while3A_632 : i32 to vector<16xi32>
        %eq3A = arith.cmpi eq, %iota3A, %broadcast_in_dim3A_634 : vector<16xi32>
        %select_n3A_635 = arith.select %eq3A, %get3A_5, %broadcast_in_dim3A_536 : vector<16xi1>, vector<16xi32>
        %reduce_sum3A_636 = arith.constant true
        %reduce_sum3A_637 = vector.broadcast %reduce_sum3A_636 : i1 to vector<16xi1>
        %reduce_sum3A_638 = tpu.scan <sum>, %select_n3A_635 masked %reduce_sum3A_637 : vector<16xi32>, vector<16xi1> -> vector<16xi32>
        %reduce_sum3A_639 = vector.extract %reduce_sum3A_638[15] : i32 from vector<16xi32>
        %max3A = arith.maxsi %add3A_551, %reduce_sum3A_639 : i32
        %sub3A = arith.subi %max3A, %add3A_551 : i32
        %add3A_640 = arith.constant 200 : i32
        %add3A_641 = arith.addi %add3A_551, %add3A_640 : i32
        %broadcast_in_dim3A_642 = vector.broadcast %while3A_632 : i32 to vector<16xi32>
        %eq3A_643 = arith.cmpi eq, %iota3A, %broadcast_in_dim3A_642 : vector<16xi32>
        %select_n3A_644 = arith.select %eq3A_643, %get3A_9, %broadcast_in_dim3A_536 : vector<16xi1>, vector<16xi32>
        %reduce_sum3A_645 = arith.constant true
        %reduce_sum3A_646 = vector.broadcast %reduce_sum3A_645 : i1 to vector<16xi1>
        %reduce_sum3A_647 = tpu.scan <sum>, %select_n3A_644 masked %reduce_sum3A_646 : vector<16xi32>, vector<16xi1> -> vector<16xi32>
        %reduce_sum3A_648 = vector.extract %reduce_sum3A_647[15] : i32 from vector<16xi32>
        %min3A = arith.minsi %add3A_641, %reduce_sum3A_648 : i32
        %sub3A_649 = arith.subi %min3A, %add3A_551 : i32
        %broadcast_in_dim3A_650 = arith.constant 0.000000e+00 : f32
        %broadcast_in_dim3A_651 = vector.broadcast %broadcast_in_dim3A_650 : f32 to vector<16xf32>
        %broadcast_in_dim3A_652 = arith.constant 0.000000e+00 : f32
        %broadcast_in_dim3A_653 = vector.broadcast %broadcast_in_dim3A_652 : f32 to vector<16xf32>
        %broadcast_in_dim3A_654 = arith.constant 0.000000e+00 : f32
        %broadcast_in_dim3A_655 = vector.broadcast %broadcast_in_dim3A_654 : f32 to vector<16xf32>
        %broadcast_in_dim3A_656 = arith.constant 0.000000e+00 : f32
        %broadcast_in_dim3A_657 = vector.broadcast %broadcast_in_dim3A_656 : f32 to vector<16xf32>
        %broadcast_in_dim3A_658 = arith.constant 0.000000e+00 : f32
        %broadcast_in_dim3A_659 = vector.broadcast %broadcast_in_dim3A_658 : f32 to vector<16xf32>
        %broadcast_in_dim3A_660 = arith.constant 0.000000e+00 : f32
        %broadcast_in_dim3A_661 = vector.broadcast %broadcast_in_dim3A_660 : f32 to vector<16xf32>
        %broadcast_in_dim3A_662 = arith.constant 0.000000e+00 : f32
        %broadcast_in_dim3A_663 = vector.broadcast %broadcast_in_dim3A_662 : f32 to vector<16xf32>
        %broadcast_in_dim3A_664 = arith.constant 0.000000e+00 : f32
        %broadcast_in_dim3A_665 = vector.broadcast %broadcast_in_dim3A_664 : f32 to vector<16xf32>
        %parallel_loop3A = arith.constant 1 : i32
        %parallel_loop3A_666:8 = scf.for %parallel_loop3A_724 = %sub3A to %sub3A_649 step %parallel_loop3A iter_args(%parallel_loop3A_725 = %broadcast_in_dim3A_651, %parallel_loop3A_726 = %broadcast_in_dim3A_653, %parallel_loop3A_727 = %broadcast_in_dim3A_655, %parallel_loop3A_728 = %broadcast_in_dim3A_657, %parallel_loop3A_729 = %broadcast_in_dim3A_659, %parallel_loop3A_730 = %broadcast_in_dim3A_661, %parallel_loop3A_731 = %broadcast_in_dim3A_663, %parallel_loop3A_732 = %broadcast_in_dim3A_665) -> (vector<16xf32>, vector<16xf32>, vector<16xf32>, vector<16xf32>, vector<16xf32>, vector<16xf32>, vector<16xf32>, vector<16xf32>)  : i32 {
          %parallel_loop3A_733 = arith.index_cast %parallel_loop3A_724 : i32 to index
          %parallel_loop3A_734 = arith.constant 0 : index
          %parallel_loop3A_735 = tpu.vector_load %arg5[%parallel_loop3A_733, %parallel_loop3A_734] {strides = array<i32>} : memref<200x128xf32, #tpu.memory_space<vmem>>, vector<16xf32>,
          %parallel_loop3A_736 = arith.addf %parallel_loop3A_725, %parallel_loop3A_735 : vector<16xf32>
          %parallel_loop3A_737 = arith.index_cast %parallel_loop3A_724 : i32 to index
          %parallel_loop3A_738 = arith.constant 16 : index
          %parallel_loop3A_739 = tpu.vector_load %arg5[%parallel_loop3A_737, %parallel_loop3A_738] {strides = array<i32>} : memref<200x128xf32, #tpu.memory_space<vmem>>, vector<16xf32>,
          %parallel_loop3A_740 = arith.addf %parallel_loop3A_726, %parallel_loop3A_739 : vector<16xf32>
          %parallel_loop3A_741 = arith.index_cast %parallel_loop3A_724 : i32 to index
          %parallel_loop3A_742 = arith.constant 32 : index
          %parallel_loop3A_743 = tpu.vector_load %arg5[%parallel_loop3A_741, %parallel_loop3A_742] {strides = array<i32>} : memref<200x128xf32, #tpu.memory_space<vmem>>, vector<16xf32>,
          %parallel_loop3A_744 = arith.addf %parallel_loop3A_727, %parallel_loop3A_743 : vector<16xf32>
          %parallel_loop3A_745 = arith.index_cast %parallel_loop3A_724 : i32 to index
          %parallel_loop3A_746 = arith.constant 48 : index
          %parallel_loop3A_747 = tpu.vector_load %arg5[%parallel_loop3A_745, %parallel_loop3A_746] {strides = array<i32>} : memref<200x128xf32, #tpu.memory_space<vmem>>, vector<16xf32>,
          %parallel_loop3A_748 = arith.addf %parallel_loop3A_728, %parallel_loop3A_747 : vector<16xf32>
          %parallel_loop3A_749 = arith.index_cast %parallel_loop3A_724 : i32 to index
          %parallel_loop3A_750 = arith.constant 64 : index
          %parallel_loop3A_751 = tpu.vector_load %arg5[%parallel_loop3A_749, %parallel_loop3A_750] {strides = array<i32>} : memref<200x128xf32, #tpu.memory_space<vmem>>, vector<16xf32>,
          %parallel_loop3A_752 = arith.addf %parallel_loop3A_729, %parallel_loop3A_751 : vector<16xf32>
          %parallel_loop3A_753 = arith.index_cast %parallel_loop3A_724 : i32 to index
          %parallel_loop3A_754 = arith.constant 80 : index
          %parallel_loop3A_755 = tpu.vector_load %arg5[%parallel_loop3A_753, %parallel_loop3A_754] {strides = array<i32>} : memref<200x128xf32, #tpu.memory_space<vmem>>, vector<16xf32>,
          %parallel_loop3A_756 = arith.addf %parallel_loop3A_730, %parallel_loop3A_755 : vector<16xf32>
          %parallel_loop3A_757 = arith.index_cast %parallel_loop3A_724 : i32 to index
          %parallel_loop3A_758 = arith.constant 96 : index
          %parallel_loop3A_759 = tpu.vector_load %arg5[%parallel_loop3A_757, %parallel_loop3A_758] {strides = array<i32>} : memref<200x128xf32, #tpu.memory_space<vmem>>, vector<16xf32>,
          %parallel_loop3A_760 = arith.addf %parallel_loop3A_731, %parallel_loop3A_759 : vector<16xf32>
          %parallel_loop3A_761 = arith.index_cast %parallel_loop3A_724 : i32 to index
          %parallel_loop3A_762 = arith.constant 112 : index
          %parallel_loop3A_763 = tpu.vector_load %arg5[%parallel_loop3A_761, %parallel_loop3A_762] {strides = array<i32>} : memref<200x128xf32, #tpu.memory_space<vmem>>, vector<16xf32>,
          %parallel_loop3A_764 = arith.addf %parallel_loop3A_732, %parallel_loop3A_763 : vector<16xf32>
          scf.yield %parallel_loop3A_736, %parallel_loop3A_740, %parallel_loop3A_744, %parallel_loop3A_748, %parallel_loop3A_752, %parallel_loop3A_756, %parallel_loop3A_760, %parallel_loop3A_764 : vector<16xf32>, vector<16xf32>, vector<16xf32>, vector<16xf32>, vector<16xf32>, vector<16xf32>, vector<16xf32>, vector<16xf32>
        } {sc.loop_unroll_factor = 4 : i64, sc.parallel_access}
        %get3A_667 = arith.index_cast %while3A_632 : i32 to index
        %get3A_668 = arith.constant 0 : index
        %get3A_669 = tpu.vector_load %arg8[%get3A_667, %get3A_668] {strides = array<i32>} : memref<16x128xf32, #tpu.memory_space<vmem>>, vector<16xf32>,
        %add3A_670 = arith.addf %get3A_669, %parallel_loop3A_666#0 : vector<16xf32>
        %swap3A_671 = arith.index_cast %while3A_632 : i32 to index
        %swap3A_672 = arith.constant 0 : index
        %swap3A_673 = tpu.vector_load %arg8[%swap3A_671, %swap3A_672] {strides = array<i32>} : memref<16x128xf32, #tpu.memory_space<vmem>>, vector<16xf32>,
        tpu.vector_store %arg8[%swap3A_671, %swap3A_672], %add3A_670 {strides = array<i32>} : memref<16x128xf32, #tpu.memory_space<vmem>>, vector<16xf32>,
        %get3A_674 = arith.index_cast %while3A_632 : i32 to index
        %get3A_675 = arith.constant 16 : index
        %get3A_676 = tpu.vector_load %arg8[%get3A_674, %get3A_675] {strides = array<i32>} : memref<16x128xf32, #tpu.memory_space<vmem>>, vector<16xf32>,
        %add3A_677 = arith.addf %get3A_676, %parallel_loop3A_666#1 : vector<16xf32>
        %swap3A_678 = arith.index_cast %while3A_632 : i32 to index
        %swap3A_679 = arith.constant 16 : index
        %swap3A_680 = tpu.vector_load %arg8[%swap3A_678, %swap3A_679] {strides = array<i32>} : memref<16x128xf32, #tpu.memory_space<vmem>>, vector<16xf32>,
        tpu.vector_store %arg8[%swap3A_678, %swap3A_679], %add3A_677 {strides = array<i32>} : memref<16x128xf32, #tpu.memory_space<vmem>>, vector<16xf32>,
        %get3A_681 = arith.index_cast %while3A_632 : i32 to index
        %get3A_682 = arith.constant 32 : index
        %get3A_683 = tpu.vector_load %arg8[%get3A_681, %get3A_682] {strides = array<i32>} : memref<16x128xf32, #tpu.memory_space<vmem>>, vector<16xf32>,
        %add3A_684 = arith.addf %get3A_683, %parallel_loop3A_666#2 : vector<16xf32>
        %swap3A_685 = arith.index_cast %while3A_632 : i32 to index
        %swap3A_686 = arith.constant 32 : index
        %swap3A_687 = tpu.vector_load %arg8[%swap3A_685, %swap3A_686] {strides = array<i32>} : memref<16x128xf32, #tpu.memory_space<vmem>>, vector<16xf32>,
        tpu.vector_store %arg8[%swap3A_685, %swap3A_686], %add3A_684 {strides = array<i32>} : memref<16x128xf32, #tpu.memory_space<vmem>>, vector<16xf32>,
        %get3A_688 = arith.index_cast %while3A_632 : i32 to index
        %get3A_689 = arith.constant 48 : index
        %get3A_690 = tpu.vector_load %arg8[%get3A_688, %get3A_689] {strides = array<i32>} : memref<16x128xf32, #tpu.memory_space<vmem>>, vector<16xf32>,
        %add3A_691 = arith.addf %get3A_690, %parallel_loop3A_666#3 : vector<16xf32>
        %swap3A_692 = arith.index_cast %while3A_632 : i32 to index
        %swap3A_693 = arith.constant 48 : index
        %swap3A_694 = tpu.vector_load %arg8[%swap3A_692, %swap3A_693] {strides = array<i32>} : memref<16x128xf32, #tpu.memory_space<vmem>>, vector<16xf32>,
        tpu.vector_store %arg8[%swap3A_692, %swap3A_693], %add3A_691 {strides = array<i32>} : memref<16x128xf32, #tpu.memory_space<vmem>>, vector<16xf32>,
        %get3A_695 = arith.index_cast %while3A_632 : i32 to index
        %get3A_696 = arith.constant 64 : index
        %get3A_697 = tpu.vector_load %arg8[%get3A_695, %get3A_696] {strides = array<i32>} : memref<16x128xf32, #tpu.memory_space<vmem>>, vector<16xf32>,
        %add3A_698 = arith.addf %get3A_697, %parallel_loop3A_666#4 : vector<16xf32>
        %swap3A_699 = arith.index_cast %while3A_632 : i32 to index
        %swap3A_700 = arith.constant 64 : index
        %swap3A_701 = tpu.vector_load %arg8[%swap3A_699, %swap3A_700] {strides = array<i32>} : memref<16x128xf32, #tpu.memory_space<vmem>>, vector<16xf32>,
        tpu.vector_store %arg8[%swap3A_699, %swap3A_700], %add3A_698 {strides = array<i32>} : memref<16x128xf32, #tpu.memory_space<vmem>>, vector<16xf32>,
        %get3A_702 = arith.index_cast %while3A_632 : i32 to index
        %get3A_703 = arith.constant 80 : index
        %get3A_704 = tpu.vector_load %arg8[%get3A_702, %get3A_703] {strides = array<i32>} : memref<16x128xf32, #tpu.memory_space<vmem>>, vector<16xf32>,
        %add3A_705 = arith.addf %get3A_704, %parallel_loop3A_666#5 : vector<16xf32>
        %swap3A_706 = arith.index_cast %while3A_632 : i32 to index
        %swap3A_707 = arith.constant 80 : index
        %swap3A_708 = tpu.vector_load %arg8[%swap3A_706, %swap3A_707] {strides = array<i32>} : memref<16x128xf32, #tpu.memory_space<vmem>>, vector<16xf32>,
        tpu.vector_store %arg8[%swap3A_706, %swap3A_707], %add3A_705 {strides = array<i32>} : memref<16x128xf32, #tpu.memory_space<vmem>>, vector<16xf32>,
        %get3A_709 = arith.index_cast %while3A_632 : i32 to index
        %get3A_710 = arith.constant 96 : index
        %get3A_711 = tpu.vector_load %arg8[%get3A_709, %get3A_710] {strides = array<i32>} : memref<16x128xf32, #tpu.memory_space<vmem>>, vector<16xf32>,
        %add3A_712 = arith.addf %get3A_711, %parallel_loop3A_666#6 : vector<16xf32>
        %swap3A_713 = arith.index_cast %while3A_632 : i32 to index
        %swap3A_714 = arith.constant 96 : index
        %swap3A_715 = tpu.vector_load %arg8[%swap3A_713, %swap3A_714] {strides = array<i32>} : memref<16x128xf32, #tpu.memory_space<vmem>>, vector<16xf32>,
        tpu.vector_store %arg8[%swap3A_713, %swap3A_714], %add3A_712 {strides = array<i32>} : memref<16x128xf32, #tpu.memory_space<vmem>>, vector<16xf32>,
        %get3A_716 = arith.index_cast %while3A_632 : i32 to index
        %get3A_717 = arith.constant 112 : index
        %get3A_718 = tpu.vector_load %arg8[%get3A_716, %get3A_717] {strides = array<i32>} : memref<16x128xf32, #tpu.memory_space<vmem>>, vector<16xf32>,
        %add3A_719 = arith.addf %get3A_718, %parallel_loop3A_666#7 : vector<16xf32>
        %swap3A_720 = arith.index_cast %while3A_632 : i32 to index
        %swap3A_721 = arith.constant 112 : index
        %swap3A_722 = tpu.vector_load %arg8[%swap3A_720, %swap3A_721] {strides = array<i32>} : memref<16x128xf32, #tpu.memory_space<vmem>>, vector<16xf32>,
        tpu.vector_store %arg8[%swap3A_720, %swap3A_721], %add3A_719 {strides = array<i32>} : memref<16x128xf32, #tpu.memory_space<vmem>>, vector<16xf32>,
        %while3A_723 = arith.constant 0 : i32
        scf.yield %while3A_723 : i32
      }
      %while3A_578 = arith.constant 1 : i32
      %while3A_579 = scf.for %while3A_632 = %while3A_575 to %while3A_571 step %while3A_578 iter_args(%while3A_633 = %while3A_577) -> (i32)  : i32 {
        %broadcast_in_dim3A_634 = vector.broadcast %while3A_632 : i32 to vector<16xi32>
        %eq3A = arith.cmpi eq, %iota3A, %broadcast_in_dim3A_634 : vector<16xi32>
        %select_n3A_635 = arith.select %eq3A, %get3A_5, %broadcast_in_dim3A_536 : vector<16xi1>, vector<16xi32>
        %reduce_sum3A_636 = arith.constant true
        %reduce_sum3A_637 = vector.broadcast %reduce_sum3A_636 : i1 to vector<16xi1>
        %reduce_sum3A_638 = tpu.scan <sum>, %select_n3A_635 masked %reduce_sum3A_637 : vector<16xi32>, vector<16xi1> -> vector<16xi32>
        %reduce_sum3A_639 = vector.extract %reduce_sum3A_638[15] : i32 from vector<16xi32>
        %max3A = arith.maxsi %add3A_551, %reduce_sum3A_639 : i32
        %sub3A = arith.subi %max3A, %add3A_551 : i32
        %add3A_640 = arith.constant 200 : i32
        %add3A_641 = arith.addi %add3A_551, %add3A_640 : i32
        %broadcast_in_dim3A_642 = vector.broadcast %while3A_632 : i32 to vector<16xi32>
        %eq3A_643 = arith.cmpi eq, %iota3A, %broadcast_in_dim3A_642 : vector<16xi32>
        %select_n3A_644 = arith.select %eq3A_643, %get3A_9, %broadcast_in_dim3A_536 : vector<16xi1>, vector<16xi32>
        %reduce_sum3A_645 = arith.constant true
        %reduce_sum3A_646 = vector.broadcast %reduce_sum3A_645 : i1 to vector<16xi1>
        %reduce_sum3A_647 = tpu.scan <sum>, %select_n3A_644 masked %reduce_sum3A_646 : vector<16xi32>, vector<16xi1> -> vector<16xi32>
        %reduce_sum3A_648 = vector.extract %reduce_sum3A_647[15] : i32 from vector<16xi32>
        %min3A = arith.minsi %add3A_641, %reduce_sum3A_648 : i32
        %sub3A_649 = arith.subi %min3A, %add3A_551 : i32
        %broadcast_in_dim3A_650 = arith.constant 0.000000e+00 : f32
        %broadcast_in_dim3A_651 = vector.broadcast %broadcast_in_dim3A_650 : f32 to vector<16xf32>
        %broadcast_in_dim3A_652 = arith.constant 0.000000e+00 : f32
        %broadcast_in_dim3A_653 = vector.broadcast %broadcast_in_dim3A_652 : f32 to vector<16xf32>
        %broadcast_in_dim3A_654 = arith.constant 0.000000e+00 : f32
        %broadcast_in_dim3A_655 = vector.broadcast %broadcast_in_dim3A_654 : f32 to vector<16xf32>
        %broadcast_in_dim3A_656 = arith.constant 0.000000e+00 : f32
        %broadcast_in_dim3A_657 = vector.broadcast %broadcast_in_dim3A_656 : f32 to vector<16xf32>
        %broadcast_in_dim3A_658 = arith.constant 0.000000e+00 : f32
        %broadcast_in_dim3A_659 = vector.broadcast %broadcast_in_dim3A_658 : f32 to vector<16xf32>
        %broadcast_in_dim3A_660 = arith.constant 0.000000e+00 : f32
        %broadcast_in_dim3A_661 = vector.broadcast %broadcast_in_dim3A_660 : f32 to vector<16xf32>
        %broadcast_in_dim3A_662 = arith.constant 0.000000e+00 : f32
        %broadcast_in_dim3A_663 = vector.broadcast %broadcast_in_dim3A_662 : f32 to vector<16xf32>
        %broadcast_in_dim3A_664 = arith.constant 0.000000e+00 : f32
        %broadcast_in_dim3A_665 = vector.broadcast %broadcast_in_dim3A_664 : f32 to vector<16xf32>
        %parallel_loop3A = arith.constant 1 : i32
        %parallel_loop3A_666:8 = scf.for %parallel_loop3A_724 = %sub3A to %sub3A_649 step %parallel_loop3A iter_args(%parallel_loop3A_725 = %broadcast_in_dim3A_651, %parallel_loop3A_726 = %broadcast_in_dim3A_653, %parallel_loop3A_727 = %broadcast_in_dim3A_655, %parallel_loop3A_728 = %broadcast_in_dim3A_657, %parallel_loop3A_729 = %broadcast_in_dim3A_659, %parallel_loop3A_730 = %broadcast_in_dim3A_661, %parallel_loop3A_731 = %broadcast_in_dim3A_663, %parallel_loop3A_732 = %broadcast_in_dim3A_665) -> (vector<16xf32>, vector<16xf32>, vector<16xf32>, vector<16xf32>, vector<16xf32>, vector<16xf32>, vector<16xf32>, vector<16xf32>)  : i32 {
          %parallel_loop3A_733 = arith.index_cast %parallel_loop3A_724 : i32 to index
          %parallel_loop3A_734 = arith.constant 0 : index
          %parallel_loop3A_735 = tpu.vector_load %arg5[%parallel_loop3A_733, %parallel_loop3A_734] {strides = array<i32>} : memref<200x128xf32, #tpu.memory_space<vmem>>, vector<16xf32>,
          %parallel_loop3A_736 = arith.addf %parallel_loop3A_725, %parallel_loop3A_735 : vector<16xf32>
          %parallel_loop3A_737 = arith.index_cast %parallel_loop3A_724 : i32 to index
          %parallel_loop3A_738 = arith.constant 16 : index
          %parallel_loop3A_739 = tpu.vector_load %arg5[%parallel_loop3A_737, %parallel_loop3A_738] {strides = array<i32>} : memref<200x128xf32, #tpu.memory_space<vmem>>, vector<16xf32>,
          %parallel_loop3A_740 = arith.addf %parallel_loop3A_726, %parallel_loop3A_739 : vector<16xf32>
          %parallel_loop3A_741 = arith.index_cast %parallel_loop3A_724 : i32 to index
          %parallel_loop3A_742 = arith.constant 32 : index
          %parallel_loop3A_743 = tpu.vector_load %arg5[%parallel_loop3A_741, %parallel_loop3A_742] {strides = array<i32>} : memref<200x128xf32, #tpu.memory_space<vmem>>, vector<16xf32>,
          %parallel_loop3A_744 = arith.addf %parallel_loop3A_727, %parallel_loop3A_743 : vector<16xf32>
          %parallel_loop3A_745 = arith.index_cast %parallel_loop3A_724 : i32 to index
          %parallel_loop3A_746 = arith.constant 48 : index
          %parallel_loop3A_747 = tpu.vector_load %arg5[%parallel_loop3A_745, %parallel_loop3A_746] {strides = array<i32>} : memref<200x128xf32, #tpu.memory_space<vmem>>, vector<16xf32>,
          %parallel_loop3A_748 = arith.addf %parallel_loop3A_728, %parallel_loop3A_747 : vector<16xf32>
          %parallel_loop3A_749 = arith.index_cast %parallel_loop3A_724 : i32 to index
          %parallel_loop3A_750 = arith.constant 64 : index
          %parallel_loop3A_751 = tpu.vector_load %arg5[%parallel_loop3A_749, %parallel_loop3A_750] {strides = array<i32>} : memref<200x128xf32, #tpu.memory_space<vmem>>, vector<16xf32>,
          %parallel_loop3A_752 = arith.addf %parallel_loop3A_729, %parallel_loop3A_751 : vector<16xf32>
          %parallel_loop3A_753 = arith.index_cast %parallel_loop3A_724 : i32 to index
          %parallel_loop3A_754 = arith.constant 80 : index
          %parallel_loop3A_755 = tpu.vector_load %arg5[%parallel_loop3A_753, %parallel_loop3A_754] {strides = array<i32>} : memref<200x128xf32, #tpu.memory_space<vmem>>, vector<16xf32>,
          %parallel_loop3A_756 = arith.addf %parallel_loop3A_730, %parallel_loop3A_755 : vector<16xf32>
          %parallel_loop3A_757 = arith.index_cast %parallel_loop3A_724 : i32 to index
          %parallel_loop3A_758 = arith.constant 96 : index
          %parallel_loop3A_759 = tpu.vector_load %arg5[%parallel_loop3A_757, %parallel_loop3A_758] {strides = array<i32>} : memref<200x128xf32, #tpu.memory_space<vmem>>, vector<16xf32>,
          %parallel_loop3A_760 = arith.addf %parallel_loop3A_731, %parallel_loop3A_759 : vector<16xf32>
          %parallel_loop3A_761 = arith.index_cast %parallel_loop3A_724 : i32 to index
          %parallel_loop3A_762 = arith.constant 112 : index
          %parallel_loop3A_763 = tpu.vector_load %arg5[%parallel_loop3A_761, %parallel_loop3A_762] {strides = array<i32>} : memref<200x128xf32, #tpu.memory_space<vmem>>, vector<16xf32>,
          %parallel_loop3A_764 = arith.addf %parallel_loop3A_732, %parallel_loop3A_763 : vector<16xf32>
          scf.yield %parallel_loop3A_736, %parallel_loop3A_740, %parallel_loop3A_744, %parallel_loop3A_748, %parallel_loop3A_752, %parallel_loop3A_756, %parallel_loop3A_760, %parallel_loop3A_764 : vector<16xf32>, vector<16xf32>, vector<16xf32>, vector<16xf32>, vector<16xf32>, vector<16xf32>, vector<16xf32>, vector<16xf32>
        } {sc.loop_unroll_factor = 4 : i64, sc.parallel_access}
        %get3A_667 = arith.index_cast %while3A_632 : i32 to index
        %get3A_668 = arith.constant 0 : index
        %get3A_669 = tpu.vector_load %arg8[%get3A_667, %get3A_668] {strides = array<i32>} : memref<16x128xf32, #tpu.memory_space<vmem>>, vector<16xf32>,
        %add3A_670 = arith.addf %get3A_669, %parallel_loop3A_666#0 : vector<16xf32>
        %swap3A_671 = arith.index_cast %while3A_632 : i32 to index
        %swap3A_672 = arith.constant 0 : index
        %swap3A_673 = tpu.vector_load %arg8[%swap3A_671, %swap3A_672] {strides = array<i32>} : memref<16x128xf32, #tpu.memory_space<vmem>>, vector<16xf32>,
        tpu.vector_store %arg8[%swap3A_671, %swap3A_672], %add3A_670 {strides = array<i32>} : memref<16x128xf32, #tpu.memory_space<vmem>>, vector<16xf32>,
        %get3A_674 = arith.index_cast %while3A_632 : i32 to index
        %get3A_675 = arith.constant 16 : index
        %get3A_676 = tpu.vector_load %arg8[%get3A_674, %get3A_675] {strides = array<i32>} : memref<16x128xf32, #tpu.memory_space<vmem>>, vector<16xf32>,
        %add3A_677 = arith.addf %get3A_676, %parallel_loop3A_666#1 : vector<16xf32>
        %swap3A_678 = arith.index_cast %while3A_632 : i32 to index
        %swap3A_679 = arith.constant 16 : index
        %swap3A_680 = tpu.vector_load %arg8[%swap3A_678, %swap3A_679] {strides = array<i32>} : memref<16x128xf32, #tpu.memory_space<vmem>>, vector<16xf32>,
        tpu.vector_store %arg8[%swap3A_678, %swap3A_679], %add3A_677 {strides = array<i32>} : memref<16x128xf32, #tpu.memory_space<vmem>>, vector<16xf32>,
        %get3A_681 = arith.index_cast %while3A_632 : i32 to index
        %get3A_682 = arith.constant 32 : index
        %get3A_683 = tpu.vector_load %arg8[%get3A_681, %get3A_682] {strides = array<i32>} : memref<16x128xf32, #tpu.memory_space<vmem>>, vector<16xf32>,
        %add3A_684 = arith.addf %get3A_683, %parallel_loop3A_666#2 : vector<16xf32>
        %swap3A_685 = arith.index_cast %while3A_632 : i32 to index
        %swap3A_686 = arith.constant 32 : index
        %swap3A_687 = tpu.vector_load %arg8[%swap3A_685, %swap3A_686] {strides = array<i32>} : memref<16x128xf32, #tpu.memory_space<vmem>>, vector<16xf32>,
        tpu.vector_store %arg8[%swap3A_685, %swap3A_686], %add3A_684 {strides = array<i32>} : memref<16x128xf32, #tpu.memory_space<vmem>>, vector<16xf32>,
        %get3A_688 = arith.index_cast %while3A_632 : i32 to index
        %get3A_689 = arith.constant 48 : index
        %get3A_690 = tpu.vector_load %arg8[%get3A_688, %get3A_689] {strides = array<i32>} : memref<16x128xf32, #tpu.memory_space<vmem>>, vector<16xf32>,
        %add3A_691 = arith.addf %get3A_690, %parallel_loop3A_666#3 : vector<16xf32>
        %swap3A_692 = arith.index_cast %while3A_632 : i32 to index
        %swap3A_693 = arith.constant 48 : index
        %swap3A_694 = tpu.vector_load %arg8[%swap3A_692, %swap3A_693] {strides = array<i32>} : memref<16x128xf32, #tpu.memory_space<vmem>>, vector<16xf32>,
        tpu.vector_store %arg8[%swap3A_692, %swap3A_693], %add3A_691 {strides = array<i32>} : memref<16x128xf32, #tpu.memory_space<vmem>>, vector<16xf32>,
        %get3A_695 = arith.index_cast %while3A_632 : i32 to index
        %get3A_696 = arith.constant 64 : index
        %get3A_697 = tpu.vector_load %arg8[%get3A_695, %get3A_696] {strides = array<i32>} : memref<16x128xf32, #tpu.memory_space<vmem>>, vector<16xf32>,
        %add3A_698 = arith.addf %get3A_697, %parallel_loop3A_666#4 : vector<16xf32>
        %swap3A_699 = arith.index_cast %while3A_632 : i32 to index
        %swap3A_700 = arith.constant 64 : index
        %swap3A_701 = tpu.vector_load %arg8[%swap3A_699, %swap3A_700] {strides = array<i32>} : memref<16x128xf32, #tpu.memory_space<vmem>>, vector<16xf32>,
        tpu.vector_store %arg8[%swap3A_699, %swap3A_700], %add3A_698 {strides = array<i32>} : memref<16x128xf32, #tpu.memory_space<vmem>>, vector<16xf32>,
        %get3A_702 = arith.index_cast %while3A_632 : i32 to index
        %get3A_703 = arith.constant 80 : index
        %get3A_704 = tpu.vector_load %arg8[%get3A_702, %get3A_703] {strides = array<i32>} : memref<16x128xf32, #tpu.memory_space<vmem>>, vector<16xf32>,
        %add3A_705 = arith.addf %get3A_704, %parallel_loop3A_666#5 : vector<16xf32>
        %swap3A_706 = arith.index_cast %while3A_632 : i32 to index
        %swap3A_707 = arith.constant 80 : index
        %swap3A_708 = tpu.vector_load %arg8[%swap3A_706, %swap3A_707] {strides = array<i32>} : memref<16x128xf32, #tpu.memory_space<vmem>>, vector<16xf32>,
        tpu.vector_store %arg8[%swap3A_706, %swap3A_707], %add3A_705 {strides = array<i32>} : memref<16x128xf32, #tpu.memory_space<vmem>>, vector<16xf32>,
        %get3A_709 = arith.index_cast %while3A_632 : i32 to index
        %get3A_710 = arith.constant 96 : index
        %get3A_711 = tpu.vector_load %arg8[%get3A_709, %get3A_710] {strides = array<i32>} : memref<16x128xf32, #tpu.memory_space<vmem>>, vector<16xf32>,
        %add3A_712 = arith.addf %get3A_711, %parallel_loop3A_666#6 : vector<16xf32>
        %swap3A_713 = arith.index_cast %while3A_632 : i32 to index
        %swap3A_714 = arith.constant 96 : index
        %swap3A_715 = tpu.vector_load %arg8[%swap3A_713, %swap3A_714] {strides = array<i32>} : memref<16x128xf32, #tpu.memory_space<vmem>>, vector<16xf32>,
        tpu.vector_store %arg8[%swap3A_713, %swap3A_714], %add3A_712 {strides = array<i32>} : memref<16x128xf32, #tpu.memory_space<vmem>>, vector<16xf32>,
        %get3A_716 = arith.index_cast %while3A_632 : i32 to index
        %get3A_717 = arith.constant 112 : index
        %get3A_718 = tpu.vector_load %arg8[%get3A_716, %get3A_717] {strides = array<i32>} : memref<16x128xf32, #tpu.memory_space<vmem>>, vector<16xf32>,
        %add3A_719 = arith.addf %get3A_718, %parallel_loop3A_666#7 : vector<16xf32>
        %swap3A_720 = arith.index_cast %while3A_632 : i32 to index
        %swap3A_721 = arith.constant 112 : index
        %swap3A_722 = tpu.vector_load %arg8[%swap3A_720, %swap3A_721] {strides = array<i32>} : memref<16x128xf32, #tpu.memory_space<vmem>>, vector<16xf32>,
        tpu.vector_store %arg8[%swap3A_720, %swap3A_721], %add3A_719 {strides = array<i32>} : memref<16x128xf32, #tpu.memory_space<vmem>>, vector<16xf32>,
        %while3A_723 = arith.constant 0 : i32
        scf.yield %while3A_723 : i32
      }
      %add3A_580 = arith.constant 2 : i32
      %add3A_581 = arith.addi %add3A_548, %add3A_580 : i32
      %lt3A = arith.constant 28 : i32
      %lt3A_582 = arith.cmpi slt, %add3A_581, %lt3A : i32
      %convert_element_type3A = arith.extui %lt3A_582 : i1 to i32
      %cond3A = arith.constant 0 : i32
      %cond3A_583 = arith.cmpi ne, %convert_element_type3A, %cond3A : i32
      scf.if %cond3A_583 {
        %add3A_632 = arith.constant 400 : i32
        %add3A_633 = arith.addi %add3A_551, %add3A_632 : i32
        %dma_start3A_634 = arith.constant 0 : i32
        %dma_start3A_635 = tpu.memref_slice %arg2[%add3A_633, %dma_start3A_634] : memref<320000x128xf32, #tpu.memory_space<hbm>> -> memref<200x128xf32, #tpu.memory_space<hbm>>
        %dma_start3A_636 = arith.constant 0 : i32
        %dma_start3A_637 = tpu.memref_slice %arg2[%add3A_633, %dma_start3A_636] : memref<320000x128xf32, #tpu.memory_space<hbm>> -> memref<200x128xf32, #tpu.memory_space<hbm>>
        tpu.enqueue_dma source(%dma_start3A_637 : memref<200x128xf32, #tpu.memory_space<hbm>>) target(%arg5 : memref<200x128xf32, #tpu.memory_space<vmem>>) target_semaphore(%arg9 : memref<!tpu.dma_semaphore, #tpu.memory_space<semaphore_mem>>)
      } else {
      }
      %mul3A_584 = arith.constant 2 : i32
      %mul3A_585 = arith.muli %mul3A_584, %scan3A_543 : i32
      %add3A_586 = arith.constant 1 : i32
      %add3A_587 = arith.addi %mul3A_585, %add3A_586 : i32
      %mul3A_588 = arith.constant 200 : i32
      %mul3A_589 = arith.muli %add3A_587, %mul3A_588 : i32
      %add3A_590 = arith.addi %mul3A_2, %mul3A_589 : i32
      %dma_wait3A_591 = arith.constant 0 : i32
      %dma_wait3A_592 = tpu.memref_slice %arg2[%add3A_590, %dma_wait3A_591] : memref<320000x128xf32, #tpu.memory_space<hbm>> -> memref<200x128xf32, #tpu.memory_space<hbm>>
      %dma_wait3A_593 = arith.constant 0 : i32
      %dma_wait3A_594 = tpu.memref_slice %arg2[%add3A_590, %dma_wait3A_593] : memref<320000x128xf32, #tpu.memory_space<hbm>> -> memref<200x128xf32, #tpu.memory_space<hbm>>
      tpu.wait_dma2 semaphore(%arg10 : memref<!tpu.dma_semaphore, #tpu.memory_space<semaphore_mem>>) src(%dma_wait3A_594 : memref<200x128xf32, #tpu.memory_space<hbm>>) dst(%arg6 : memref<200x128xf32, #tpu.memory_space<vmem>>)
      %broadcast_in_dim3A_595 = vector.broadcast %add3A_590 : i32 to vector<16xi32>
      %le3A_596 = arith.cmpi sle, %get3A_9, %broadcast_in_dim3A_595 : vector<16xi32>
      %select_n3A_597 = arith.select %le3A_596, %broadcast_in_dim3A_534, %broadcast_in_dim3A_536 : vector<16xi1>, vector<16xi32>
      %reduce_sum3A_598 = arith.constant true
      %reduce_sum3A_599 = vector.broadcast %reduce_sum3A_598 : i1 to vector<16xi1>
      %reduce_sum3A_600 = tpu.scan <sum>, %select_n3A_597 masked %reduce_sum3A_599 : vector<16xi32>, vector<16xi1> -> vector<16xi32>
      %reduce_sum3A_601 = vector.extract %reduce_sum3A_600[15] : i32 from vector<16xi32>
      %add3A_602 = arith.constant 199 : i32
      %add3A_603 = arith.addi %add3A_590, %add3A_602 : i32
      %broadcast_in_dim3A_604 = vector.broadcast %add3A_603 : i32 to vector<16xi32>
      %le3A_605 = arith.cmpi sle, %get3A_9, %broadcast_in_dim3A_604 : vector<16xi32>
      %select_n3A_606 = arith.select %le3A_605, %broadcast_in_dim3A_534, %broadcast_in_dim3A_536 : vector<16xi1>, vector<16xi32>
      %reduce_sum3A_607 = arith.constant true
      %reduce_sum3A_608 = vector.broadcast %reduce_sum3A_607 : i1 to vector<16xi1>
      %reduce_sum3A_609 = tpu.scan <sum>, %select_n3A_606 masked %reduce_sum3A_608 : vector<16xi32>, vector<16xi1> -> vector<16xi32>
      %reduce_sum3A_610 = vector.extract %reduce_sum3A_609[15] : i32 from vector<16xi32>
      %add3A_611 = arith.constant 1 : i32
      %add3A_612 = arith.addi %reduce_sum3A_610, %add3A_611 : i32
      %while3A_613 = arith.constant 0 : i32
      %while3A_614 = arith.subi %add3A_612, %reduce_sum3A_601 : i32
      %while3A_615 = arith.addi %reduce_sum3A_601, %while3A_614 : i32
      %while3A_616 = arith.constant 1 : i32
      %while3A_617 = arith.divsi %while3A_614, %while3A_616 : i32
      %while3A_618 = arith.muli %while3A_617, %while3A_616 : i32
      %while3A_619 = arith.addi %reduce_sum3A_601, %while3A_618 : i32
      %while3A_620 = arith.constant 1 : i32
      %while3A_621 = scf.for %while3A_632 = %reduce_sum3A_601 to %while3A_619 step %while3A_620 iter_args(%while3A_633 = %while3A_613) -> (i32)  : i32 {
        %broadcast_in_dim3A_634 = vector.broadcast %while3A_632 : i32 to vector<16xi32>
        %eq3A = arith.cmpi eq, %iota3A, %broadcast_in_dim3A_634 : vector<16xi32>
        %select_n3A_635 = arith.select %eq3A, %get3A_5, %broadcast_in_dim3A_536 : vector<16xi1>, vector<16xi32>
        %reduce_sum3A_636 = arith.constant true
        %reduce_sum3A_637 = vector.broadcast %reduce_sum3A_636 : i1 to vector<16xi1>
        %reduce_sum3A_638 = tpu.scan <sum>, %select_n3A_635 masked %reduce_sum3A_637 : vector<16xi32>, vector<16xi1> -> vector<16xi32>
        %reduce_sum3A_639 = vector.extract %reduce_sum3A_638[15] : i32 from vector<16xi32>
        %max3A = arith.maxsi %add3A_590, %reduce_sum3A_639 : i32
        %sub3A = arith.subi %max3A, %add3A_590 : i32
        %add3A_640 = arith.constant 200 : i32
        %add3A_641 = arith.addi %add3A_590, %add3A_640 : i32
        %broadcast_in_dim3A_642 = vector.broadcast %while3A_632 : i32 to vector<16xi32>
        %eq3A_643 = arith.cmpi eq, %iota3A, %broadcast_in_dim3A_642 : vector<16xi32>
        %select_n3A_644 = arith.select %eq3A_643, %get3A_9, %broadcast_in_dim3A_536 : vector<16xi1>, vector<16xi32>
        %reduce_sum3A_645 = arith.constant true
        %reduce_sum3A_646 = vector.broadcast %reduce_sum3A_645 : i1 to vector<16xi1>
        %reduce_sum3A_647 = tpu.scan <sum>, %select_n3A_644 masked %reduce_sum3A_646 : vector<16xi32>, vector<16xi1> -> vector<16xi32>
        %reduce_sum3A_648 = vector.extract %reduce_sum3A_647[15] : i32 from vector<16xi32>
        %min3A = arith.minsi %add3A_641, %reduce_sum3A_648 : i32
        %sub3A_649 = arith.subi %min3A, %add3A_590 : i32
        %broadcast_in_dim3A_650 = arith.constant 0.000000e+00 : f32
        %broadcast_in_dim3A_651 = vector.broadcast %broadcast_in_dim3A_650 : f32 to vector<16xf32>
        %broadcast_in_dim3A_652 = arith.constant 0.000000e+00 : f32
        %broadcast_in_dim3A_653 = vector.broadcast %broadcast_in_dim3A_652 : f32 to vector<16xf32>
        %broadcast_in_dim3A_654 = arith.constant 0.000000e+00 : f32
        %broadcast_in_dim3A_655 = vector.broadcast %broadcast_in_dim3A_654 : f32 to vector<16xf32>
        %broadcast_in_dim3A_656 = arith.constant 0.000000e+00 : f32
        %broadcast_in_dim3A_657 = vector.broadcast %broadcast_in_dim3A_656 : f32 to vector<16xf32>
        %broadcast_in_dim3A_658 = arith.constant 0.000000e+00 : f32
        %broadcast_in_dim3A_659 = vector.broadcast %broadcast_in_dim3A_658 : f32 to vector<16xf32>
        %broadcast_in_dim3A_660 = arith.constant 0.000000e+00 : f32
        %broadcast_in_dim3A_661 = vector.broadcast %broadcast_in_dim3A_660 : f32 to vector<16xf32>
        %broadcast_in_dim3A_662 = arith.constant 0.000000e+00 : f32
        %broadcast_in_dim3A_663 = vector.broadcast %broadcast_in_dim3A_662 : f32 to vector<16xf32>
        %broadcast_in_dim3A_664 = arith.constant 0.000000e+00 : f32
        %broadcast_in_dim3A_665 = vector.broadcast %broadcast_in_dim3A_664 : f32 to vector<16xf32>
        %parallel_loop3A = arith.constant 1 : i32
        %parallel_loop3A_666:8 = scf.for %parallel_loop3A_724 = %sub3A to %sub3A_649 step %parallel_loop3A iter_args(%parallel_loop3A_725 = %broadcast_in_dim3A_651, %parallel_loop3A_726 = %broadcast_in_dim3A_653, %parallel_loop3A_727 = %broadcast_in_dim3A_655, %parallel_loop3A_728 = %broadcast_in_dim3A_657, %parallel_loop3A_729 = %broadcast_in_dim3A_659, %parallel_loop3A_730 = %broadcast_in_dim3A_661, %parallel_loop3A_731 = %broadcast_in_dim3A_663, %parallel_loop3A_732 = %broadcast_in_dim3A_665) -> (vector<16xf32>, vector<16xf32>, vector<16xf32>, vector<16xf32>, vector<16xf32>, vector<16xf32>, vector<16xf32>, vector<16xf32>)  : i32 {
          %parallel_loop3A_733 = arith.index_cast %parallel_loop3A_724 : i32 to index
          %parallel_loop3A_734 = arith.constant 0 : index
          %parallel_loop3A_735 = tpu.vector_load %arg6[%parallel_loop3A_733, %parallel_loop3A_734] {strides = array<i32>} : memref<200x128xf32, #tpu.memory_space<vmem>>, vector<16xf32>,
          %parallel_loop3A_736 = arith.addf %parallel_loop3A_725, %parallel_loop3A_735 : vector<16xf32>
          %parallel_loop3A_737 = arith.index_cast %parallel_loop3A_724 : i32 to index
          %parallel_loop3A_738 = arith.constant 16 : index
          %parallel_loop3A_739 = tpu.vector_load %arg6[%parallel_loop3A_737, %parallel_loop3A_738] {strides = array<i32>} : memref<200x128xf32, #tpu.memory_space<vmem>>, vector<16xf32>,
          %parallel_loop3A_740 = arith.addf %parallel_loop3A_726, %parallel_loop3A_739 : vector<16xf32>
          %parallel_loop3A_741 = arith.index_cast %parallel_loop3A_724 : i32 to index
          %parallel_loop3A_742 = arith.constant 32 : index
          %parallel_loop3A_743 = tpu.vector_load %arg6[%parallel_loop3A_741, %parallel_loop3A_742] {strides = array<i32>} : memref<200x128xf32, #tpu.memory_space<vmem>>, vector<16xf32>,
          %parallel_loop3A_744 = arith.addf %parallel_loop3A_727, %parallel_loop3A_743 : vector<16xf32>
          %parallel_loop3A_745 = arith.index_cast %parallel_loop3A_724 : i32 to index
          %parallel_loop3A_746 = arith.constant 48 : index
          %parallel_loop3A_747 = tpu.vector_load %arg6[%parallel_loop3A_745, %parallel_loop3A_746] {strides = array<i32>} : memref<200x128xf32, #tpu.memory_space<vmem>>, vector<16xf32>,
          %parallel_loop3A_748 = arith.addf %parallel_loop3A_728, %parallel_loop3A_747 : vector<16xf32>
          %parallel_loop3A_749 = arith.index_cast %parallel_loop3A_724 : i32 to index
          %parallel_loop3A_750 = arith.constant 64 : index
          %parallel_loop3A_751 = tpu.vector_load %arg6[%parallel_loop3A_749, %parallel_loop3A_750] {strides = array<i32>} : memref<200x128xf32, #tpu.memory_space<vmem>>, vector<16xf32>,
          %parallel_loop3A_752 = arith.addf %parallel_loop3A_729, %parallel_loop3A_751 : vector<16xf32>
          %parallel_loop3A_753 = arith.index_cast %parallel_loop3A_724 : i32 to index
          %parallel_loop3A_754 = arith.constant 80 : index
          %parallel_loop3A_755 = tpu.vector_load %arg6[%parallel_loop3A_753, %parallel_loop3A_754] {strides = array<i32>} : memref<200x128xf32, #tpu.memory_space<vmem>>, vector<16xf32>,
          %parallel_loop3A_756 = arith.addf %parallel_loop3A_730, %parallel_loop3A_755 : vector<16xf32>
          %parallel_loop3A_757 = arith.index_cast %parallel_loop3A_724 : i32 to index
          %parallel_loop3A_758 = arith.constant 96 : index
          %parallel_loop3A_759 = tpu.vector_load %arg6[%parallel_loop3A_757, %parallel_loop3A_758] {strides = array<i32>} : memref<200x128xf32, #tpu.memory_space<vmem>>, vector<16xf32>,
          %parallel_loop3A_760 = arith.addf %parallel_loop3A_731, %parallel_loop3A_759 : vector<16xf32>
          %parallel_loop3A_761 = arith.index_cast %parallel_loop3A_724 : i32 to index
          %parallel_loop3A_762 = arith.constant 112 : index
          %parallel_loop3A_763 = tpu.vector_load %arg6[%parallel_loop3A_761, %parallel_loop3A_762] {strides = array<i32>} : memref<200x128xf32, #tpu.memory_space<vmem>>, vector<16xf32>,
          %parallel_loop3A_764 = arith.addf %parallel_loop3A_732, %parallel_loop3A_763 : vector<16xf32>
          scf.yield %parallel_loop3A_736, %parallel_loop3A_740, %parallel_loop3A_744, %parallel_loop3A_748, %parallel_loop3A_752, %parallel_loop3A_756, %parallel_loop3A_760, %parallel_loop3A_764 : vector<16xf32>, vector<16xf32>, vector<16xf32>, vector<16xf32>, vector<16xf32>, vector<16xf32>, vector<16xf32>, vector<16xf32>
        } {sc.loop_unroll_factor = 4 : i64, sc.parallel_access}
        %get3A_667 = arith.index_cast %while3A_632 : i32 to index
        %get3A_668 = arith.constant 0 : index
        %get3A_669 = tpu.vector_load %arg8[%get3A_667, %get3A_668] {strides = array<i32>} : memref<16x128xf32, #tpu.memory_space<vmem>>, vector<16xf32>,
        %add3A_670 = arith.addf %get3A_669, %parallel_loop3A_666#0 : vector<16xf32>
        %swap3A_671 = arith.index_cast %while3A_632 : i32 to index
        %swap3A_672 = arith.constant 0 : index
        %swap3A_673 = tpu.vector_load %arg8[%swap3A_671, %swap3A_672] {strides = array<i32>} : memref<16x128xf32, #tpu.memory_space<vmem>>, vector<16xf32>,
        tpu.vector_store %arg8[%swap3A_671, %swap3A_672], %add3A_670 {strides = array<i32>} : memref<16x128xf32, #tpu.memory_space<vmem>>, vector<16xf32>,
        %get3A_674 = arith.index_cast %while3A_632 : i32 to index
        %get3A_675 = arith.constant 16 : index
        %get3A_676 = tpu.vector_load %arg8[%get3A_674, %get3A_675] {strides = array<i32>} : memref<16x128xf32, #tpu.memory_space<vmem>>, vector<16xf32>,
        %add3A_677 = arith.addf %get3A_676, %parallel_loop3A_666#1 : vector<16xf32>
        %swap3A_678 = arith.index_cast %while3A_632 : i32 to index
        %swap3A_679 = arith.constant 16 : index
        %swap3A_680 = tpu.vector_load %arg8[%swap3A_678, %swap3A_679] {strides = array<i32>} : memref<16x128xf32, #tpu.memory_space<vmem>>, vector<16xf32>,
        tpu.vector_store %arg8[%swap3A_678, %swap3A_679], %add3A_677 {strides = array<i32>} : memref<16x128xf32, #tpu.memory_space<vmem>>, vector<16xf32>,
        %get3A_681 = arith.index_cast %while3A_632 : i32 to index
        %get3A_682 = arith.constant 32 : index
        %get3A_683 = tpu.vector_load %arg8[%get3A_681, %get3A_682] {strides = array<i32>} : memref<16x128xf32, #tpu.memory_space<vmem>>, vector<16xf32>,
        %add3A_684 = arith.addf %get3A_683, %parallel_loop3A_666#2 : vector<16xf32>
        %swap3A_685 = arith.index_cast %while3A_632 : i32 to index
        %swap3A_686 = arith.constant 32 : index
        %swap3A_687 = tpu.vector_load %arg8[%swap3A_685, %swap3A_686] {strides = array<i32>} : memref<16x128xf32, #tpu.memory_space<vmem>>, vector<16xf32>,
        tpu.vector_store %arg8[%swap3A_685, %swap3A_686], %add3A_684 {strides = array<i32>} : memref<16x128xf32, #tpu.memory_space<vmem>>, vector<16xf32>,
        %get3A_688 = arith.index_cast %while3A_632 : i32 to index
        %get3A_689 = arith.constant 48 : index
        %get3A_690 = tpu.vector_load %arg8[%get3A_688, %get3A_689] {strides = array<i32>} : memref<16x128xf32, #tpu.memory_space<vmem>>, vector<16xf32>,
        %add3A_691 = arith.addf %get3A_690, %parallel_loop3A_666#3 : vector<16xf32>
        %swap3A_692 = arith.index_cast %while3A_632 : i32 to index
        %swap3A_693 = arith.constant 48 : index
        %swap3A_694 = tpu.vector_load %arg8[%swap3A_692, %swap3A_693] {strides = array<i32>} : memref<16x128xf32, #tpu.memory_space<vmem>>, vector<16xf32>,
        tpu.vector_store %arg8[%swap3A_692, %swap3A_693], %add3A_691 {strides = array<i32>} : memref<16x128xf32, #tpu.memory_space<vmem>>, vector<16xf32>,
        %get3A_695 = arith.index_cast %while3A_632 : i32 to index
        %get3A_696 = arith.constant 64 : index
        %get3A_697 = tpu.vector_load %arg8[%get3A_695, %get3A_696] {strides = array<i32>} : memref<16x128xf32, #tpu.memory_space<vmem>>, vector<16xf32>,
        %add3A_698 = arith.addf %get3A_697, %parallel_loop3A_666#4 : vector<16xf32>
        %swap3A_699 = arith.index_cast %while3A_632 : i32 to index
        %swap3A_700 = arith.constant 64 : index
        %swap3A_701 = tpu.vector_load %arg8[%swap3A_699, %swap3A_700] {strides = array<i32>} : memref<16x128xf32, #tpu.memory_space<vmem>>, vector<16xf32>,
        tpu.vector_store %arg8[%swap3A_699, %swap3A_700], %add3A_698 {strides = array<i32>} : memref<16x128xf32, #tpu.memory_space<vmem>>, vector<16xf32>,
        %get3A_702 = arith.index_cast %while3A_632 : i32 to index
        %get3A_703 = arith.constant 80 : index
        %get3A_704 = tpu.vector_load %arg8[%get3A_702, %get3A_703] {strides = array<i32>} : memref<16x128xf32, #tpu.memory_space<vmem>>, vector<16xf32>,
        %add3A_705 = arith.addf %get3A_704, %parallel_loop3A_666#5 : vector<16xf32>
        %swap3A_706 = arith.index_cast %while3A_632 : i32 to index
        %swap3A_707 = arith.constant 80 : index
        %swap3A_708 = tpu.vector_load %arg8[%swap3A_706, %swap3A_707] {strides = array<i32>} : memref<16x128xf32, #tpu.memory_space<vmem>>, vector<16xf32>,
        tpu.vector_store %arg8[%swap3A_706, %swap3A_707], %add3A_705 {strides = array<i32>} : memref<16x128xf32, #tpu.memory_space<vmem>>, vector<16xf32>,
        %get3A_709 = arith.index_cast %while3A_632 : i32 to index
        %get3A_710 = arith.constant 96 : index
        %get3A_711 = tpu.vector_load %arg8[%get3A_709, %get3A_710] {strides = array<i32>} : memref<16x128xf32, #tpu.memory_space<vmem>>, vector<16xf32>,
        %add3A_712 = arith.addf %get3A_711, %parallel_loop3A_666#6 : vector<16xf32>
        %swap3A_713 = arith.index_cast %while3A_632 : i32 to index
        %swap3A_714 = arith.constant 96 : index
        %swap3A_715 = tpu.vector_load %arg8[%swap3A_713, %swap3A_714] {strides = array<i32>} : memref<16x128xf32, #tpu.memory_space<vmem>>, vector<16xf32>,
        tpu.vector_store %arg8[%swap3A_713, %swap3A_714], %add3A_712 {strides = array<i32>} : memref<16x128xf32, #tpu.memory_space<vmem>>, vector<16xf32>,
        %get3A_716 = arith.index_cast %while3A_632 : i32 to index
        %get3A_717 = arith.constant 112 : index
        %get3A_718 = tpu.vector_load %arg8[%get3A_716, %get3A_717] {strides = array<i32>} : memref<16x128xf32, #tpu.memory_space<vmem>>, vector<16xf32>,
        %add3A_719 = arith.addf %get3A_718, %parallel_loop3A_666#7 : vector<16xf32>
        %swap3A_720 = arith.index_cast %while3A_632 : i32 to index
        %swap3A_721 = arith.constant 112 : index
        %swap3A_722 = tpu.vector_load %arg8[%swap3A_720, %swap3A_721] {strides = array<i32>} : memref<16x128xf32, #tpu.memory_space<vmem>>, vector<16xf32>,
        tpu.vector_store %arg8[%swap3A_720, %swap3A_721], %add3A_719 {strides = array<i32>} : memref<16x128xf32, #tpu.memory_space<vmem>>, vector<16xf32>,
        %while3A_723 = arith.constant 0 : i32
        scf.yield %while3A_723 : i32
      }
      %while3A_622 = arith.constant 1 : i32
      %while3A_623 = scf.for %while3A_632 = %while3A_619 to %while3A_615 step %while3A_622 iter_args(%while3A_633 = %while3A_621) -> (i32)  : i32 {
        %broadcast_in_dim3A_634 = vector.broadcast %while3A_632 : i32 to vector<16xi32>
        %eq3A = arith.cmpi eq, %iota3A, %broadcast_in_dim3A_634 : vector<16xi32>
        %select_n3A_635 = arith.select %eq3A, %get3A_5, %broadcast_in_dim3A_536 : vector<16xi1>, vector<16xi32>
        %reduce_sum3A_636 = arith.constant true
        %reduce_sum3A_637 = vector.broadcast %reduce_sum3A_636 : i1 to vector<16xi1>
        %reduce_sum3A_638 = tpu.scan <sum>, %select_n3A_635 masked %reduce_sum3A_637 : vector<16xi32>, vector<16xi1> -> vector<16xi32>
        %reduce_sum3A_639 = vector.extract %reduce_sum3A_638[15] : i32 from vector<16xi32>
        %max3A = arith.maxsi %add3A_590, %reduce_sum3A_639 : i32
        %sub3A = arith.subi %max3A, %add3A_590 : i32
        %add3A_640 = arith.constant 200 : i32
        %add3A_641 = arith.addi %add3A_590, %add3A_640 : i32
        %broadcast_in_dim3A_642 = vector.broadcast %while3A_632 : i32 to vector<16xi32>
        %eq3A_643 = arith.cmpi eq, %iota3A, %broadcast_in_dim3A_642 : vector<16xi32>
        %select_n3A_644 = arith.select %eq3A_643, %get3A_9, %broadcast_in_dim3A_536 : vector<16xi1>, vector<16xi32>
        %reduce_sum3A_645 = arith.constant true
        %reduce_sum3A_646 = vector.broadcast %reduce_sum3A_645 : i1 to vector<16xi1>
        %reduce_sum3A_647 = tpu.scan <sum>, %select_n3A_644 masked %reduce_sum3A_646 : vector<16xi32>, vector<16xi1> -> vector<16xi32>
        %reduce_sum3A_648 = vector.extract %reduce_sum3A_647[15] : i32 from vector<16xi32>
        %min3A = arith.minsi %add3A_641, %reduce_sum3A_648 : i32
        %sub3A_649 = arith.subi %min3A, %add3A_590 : i32
        %broadcast_in_dim3A_650 = arith.constant 0.000000e+00 : f32
        %broadcast_in_dim3A_651 = vector.broadcast %broadcast_in_dim3A_650 : f32 to vector<16xf32>
        %broadcast_in_dim3A_652 = arith.constant 0.000000e+00 : f32
        %broadcast_in_dim3A_653 = vector.broadcast %broadcast_in_dim3A_652 : f32 to vector<16xf32>
        %broadcast_in_dim3A_654 = arith.constant 0.000000e+00 : f32
        %broadcast_in_dim3A_655 = vector.broadcast %broadcast_in_dim3A_654 : f32 to vector<16xf32>
        %broadcast_in_dim3A_656 = arith.constant 0.000000e+00 : f32
        %broadcast_in_dim3A_657 = vector.broadcast %broadcast_in_dim3A_656 : f32 to vector<16xf32>
        %broadcast_in_dim3A_658 = arith.constant 0.000000e+00 : f32
        %broadcast_in_dim3A_659 = vector.broadcast %broadcast_in_dim3A_658 : f32 to vector<16xf32>
        %broadcast_in_dim3A_660 = arith.constant 0.000000e+00 : f32
        %broadcast_in_dim3A_661 = vector.broadcast %broadcast_in_dim3A_660 : f32 to vector<16xf32>
        %broadcast_in_dim3A_662 = arith.constant 0.000000e+00 : f32
        %broadcast_in_dim3A_663 = vector.broadcast %broadcast_in_dim3A_662 : f32 to vector<16xf32>
        %broadcast_in_dim3A_664 = arith.constant 0.000000e+00 : f32
        %broadcast_in_dim3A_665 = vector.broadcast %broadcast_in_dim3A_664 : f32 to vector<16xf32>
        %parallel_loop3A = arith.constant 1 : i32
        %parallel_loop3A_666:8 = scf.for %parallel_loop3A_724 = %sub3A to %sub3A_649 step %parallel_loop3A iter_args(%parallel_loop3A_725 = %broadcast_in_dim3A_651, %parallel_loop3A_726 = %broadcast_in_dim3A_653, %parallel_loop3A_727 = %broadcast_in_dim3A_655, %parallel_loop3A_728 = %broadcast_in_dim3A_657, %parallel_loop3A_729 = %broadcast_in_dim3A_659, %parallel_loop3A_730 = %broadcast_in_dim3A_661, %parallel_loop3A_731 = %broadcast_in_dim3A_663, %parallel_loop3A_732 = %broadcast_in_dim3A_665) -> (vector<16xf32>, vector<16xf32>, vector<16xf32>, vector<16xf32>, vector<16xf32>, vector<16xf32>, vector<16xf32>, vector<16xf32>)  : i32 {
          %parallel_loop3A_733 = arith.index_cast %parallel_loop3A_724 : i32 to index
          %parallel_loop3A_734 = arith.constant 0 : index
          %parallel_loop3A_735 = tpu.vector_load %arg6[%parallel_loop3A_733, %parallel_loop3A_734] {strides = array<i32>} : memref<200x128xf32, #tpu.memory_space<vmem>>, vector<16xf32>,
          %parallel_loop3A_736 = arith.addf %parallel_loop3A_725, %parallel_loop3A_735 : vector<16xf32>
          %parallel_loop3A_737 = arith.index_cast %parallel_loop3A_724 : i32 to index
          %parallel_loop3A_738 = arith.constant 16 : index
          %parallel_loop3A_739 = tpu.vector_load %arg6[%parallel_loop3A_737, %parallel_loop3A_738] {strides = array<i32>} : memref<200x128xf32, #tpu.memory_space<vmem>>, vector<16xf32>,
          %parallel_loop3A_740 = arith.addf %parallel_loop3A_726, %parallel_loop3A_739 : vector<16xf32>
          %parallel_loop3A_741 = arith.index_cast %parallel_loop3A_724 : i32 to index
          %parallel_loop3A_742 = arith.constant 32 : index
          %parallel_loop3A_743 = tpu.vector_load %arg6[%parallel_loop3A_741, %parallel_loop3A_742] {strides = array<i32>} : memref<200x128xf32, #tpu.memory_space<vmem>>, vector<16xf32>,
          %parallel_loop3A_744 = arith.addf %parallel_loop3A_727, %parallel_loop3A_743 : vector<16xf32>
          %parallel_loop3A_745 = arith.index_cast %parallel_loop3A_724 : i32 to index
          %parallel_loop3A_746 = arith.constant 48 : index
          %parallel_loop3A_747 = tpu.vector_load %arg6[%parallel_loop3A_745, %parallel_loop3A_746] {strides = array<i32>} : memref<200x128xf32, #tpu.memory_space<vmem>>, vector<16xf32>,
          %parallel_loop3A_748 = arith.addf %parallel_loop3A_728, %parallel_loop3A_747 : vector<16xf32>
          %parallel_loop3A_749 = arith.index_cast %parallel_loop3A_724 : i32 to index
          %parallel_loop3A_750 = arith.constant 64 : index
          %parallel_loop3A_751 = tpu.vector_load %arg6[%parallel_loop3A_749, %parallel_loop3A_750] {strides = array<i32>} : memref<200x128xf32, #tpu.memory_space<vmem>>, vector<16xf32>,
          %parallel_loop3A_752 = arith.addf %parallel_loop3A_729, %parallel_loop3A_751 : vector<16xf32>
          %parallel_loop3A_753 = arith.index_cast %parallel_loop3A_724 : i32 to index
          %parallel_loop3A_754 = arith.constant 80 : index
          %parallel_loop3A_755 = tpu.vector_load %arg6[%parallel_loop3A_753, %parallel_loop3A_754] {strides = array<i32>} : memref<200x128xf32, #tpu.memory_space<vmem>>, vector<16xf32>,
          %parallel_loop3A_756 = arith.addf %parallel_loop3A_730, %parallel_loop3A_755 : vector<16xf32>
          %parallel_loop3A_757 = arith.index_cast %parallel_loop3A_724 : i32 to index
          %parallel_loop3A_758 = arith.constant 96 : index
          %parallel_loop3A_759 = tpu.vector_load %arg6[%parallel_loop3A_757, %parallel_loop3A_758] {strides = array<i32>} : memref<200x128xf32, #tpu.memory_space<vmem>>, vector<16xf32>,
          %parallel_loop3A_760 = arith.addf %parallel_loop3A_731, %parallel_loop3A_759 : vector<16xf32>
          %parallel_loop3A_761 = arith.index_cast %parallel_loop3A_724 : i32 to index
          %parallel_loop3A_762 = arith.constant 112 : index
          %parallel_loop3A_763 = tpu.vector_load %arg6[%parallel_loop3A_761, %parallel_loop3A_762] {strides = array<i32>} : memref<200x128xf32, #tpu.memory_space<vmem>>, vector<16xf32>,
          %parallel_loop3A_764 = arith.addf %parallel_loop3A_732, %parallel_loop3A_763 : vector<16xf32>
          scf.yield %parallel_loop3A_736, %parallel_loop3A_740, %parallel_loop3A_744, %parallel_loop3A_748, %parallel_loop3A_752, %parallel_loop3A_756, %parallel_loop3A_760, %parallel_loop3A_764 : vector<16xf32>, vector<16xf32>, vector<16xf32>, vector<16xf32>, vector<16xf32>, vector<16xf32>, vector<16xf32>, vector<16xf32>
        } {sc.loop_unroll_factor = 4 : i64, sc.parallel_access}
        %get3A_667 = arith.index_cast %while3A_632 : i32 to index
        %get3A_668 = arith.constant 0 : index
        %get3A_669 = tpu.vector_load %arg8[%get3A_667, %get3A_668] {strides = array<i32>} : memref<16x128xf32, #tpu.memory_space<vmem>>, vector<16xf32>,
        %add3A_670 = arith.addf %get3A_669, %parallel_loop3A_666#0 : vector<16xf32>
        %swap3A_671 = arith.index_cast %while3A_632 : i32 to index
        %swap3A_672 = arith.constant 0 : index
        %swap3A_673 = tpu.vector_load %arg8[%swap3A_671, %swap3A_672] {strides = array<i32>} : memref<16x128xf32, #tpu.memory_space<vmem>>, vector<16xf32>,
        tpu.vector_store %arg8[%swap3A_671, %swap3A_672], %add3A_670 {strides = array<i32>} : memref<16x128xf32, #tpu.memory_space<vmem>>, vector<16xf32>,
        %get3A_674 = arith.index_cast %while3A_632 : i32 to index
        %get3A_675 = arith.constant 16 : index
        %get3A_676 = tpu.vector_load %arg8[%get3A_674, %get3A_675] {strides = array<i32>} : memref<16x128xf32, #tpu.memory_space<vmem>>, vector<16xf32>,
        %add3A_677 = arith.addf %get3A_676, %parallel_loop3A_666#1 : vector<16xf32>
        %swap3A_678 = arith.index_cast %while3A_632 : i32 to index
        %swap3A_679 = arith.constant 16 : index
        %swap3A_680 = tpu.vector_load %arg8[%swap3A_678, %swap3A_679] {strides = array<i32>} : memref<16x128xf32, #tpu.memory_space<vmem>>, vector<16xf32>,
        tpu.vector_store %arg8[%swap3A_678, %swap3A_679], %add3A_677 {strides = array<i32>} : memref<16x128xf32, #tpu.memory_space<vmem>>, vector<16xf32>,
        %get3A_681 = arith.index_cast %while3A_632 : i32 to index
        %get3A_682 = arith.constant 32 : index
        %get3A_683 = tpu.vector_load %arg8[%get3A_681, %get3A_682] {strides = array<i32>} : memref<16x128xf32, #tpu.memory_space<vmem>>, vector<16xf32>,
        %add3A_684 = arith.addf %get3A_683, %parallel_loop3A_666#2 : vector<16xf32>
        %swap3A_685 = arith.index_cast %while3A_632 : i32 to index
        %swap3A_686 = arith.constant 32 : index
        %swap3A_687 = tpu.vector_load %arg8[%swap3A_685, %swap3A_686] {strides = array<i32>} : memref<16x128xf32, #tpu.memory_space<vmem>>, vector<16xf32>,
        tpu.vector_store %arg8[%swap3A_685, %swap3A_686], %add3A_684 {strides = array<i32>} : memref<16x128xf32, #tpu.memory_space<vmem>>, vector<16xf32>,
        %get3A_688 = arith.index_cast %while3A_632 : i32 to index
        %get3A_689 = arith.constant 48 : index
        %get3A_690 = tpu.vector_load %arg8[%get3A_688, %get3A_689] {strides = array<i32>} : memref<16x128xf32, #tpu.memory_space<vmem>>, vector<16xf32>,
        %add3A_691 = arith.addf %get3A_690, %parallel_loop3A_666#3 : vector<16xf32>
        %swap3A_692 = arith.index_cast %while3A_632 : i32 to index
        %swap3A_693 = arith.constant 48 : index
        %swap3A_694 = tpu.vector_load %arg8[%swap3A_692, %swap3A_693] {strides = array<i32>} : memref<16x128xf32, #tpu.memory_space<vmem>>, vector<16xf32>,
        tpu.vector_store %arg8[%swap3A_692, %swap3A_693], %add3A_691 {strides = array<i32>} : memref<16x128xf32, #tpu.memory_space<vmem>>, vector<16xf32>,
        %get3A_695 = arith.index_cast %while3A_632 : i32 to index
        %get3A_696 = arith.constant 64 : index
        %get3A_697 = tpu.vector_load %arg8[%get3A_695, %get3A_696] {strides = array<i32>} : memref<16x128xf32, #tpu.memory_space<vmem>>, vector<16xf32>,
        %add3A_698 = arith.addf %get3A_697, %parallel_loop3A_666#4 : vector<16xf32>
        %swap3A_699 = arith.index_cast %while3A_632 : i32 to index
        %swap3A_700 = arith.constant 64 : index
        %swap3A_701 = tpu.vector_load %arg8[%swap3A_699, %swap3A_700] {strides = array<i32>} : memref<16x128xf32, #tpu.memory_space<vmem>>, vector<16xf32>,
        tpu.vector_store %arg8[%swap3A_699, %swap3A_700], %add3A_698 {strides = array<i32>} : memref<16x128xf32, #tpu.memory_space<vmem>>, vector<16xf32>,
        %get3A_702 = arith.index_cast %while3A_632 : i32 to index
        %get3A_703 = arith.constant 80 : index
        %get3A_704 = tpu.vector_load %arg8[%get3A_702, %get3A_703] {strides = array<i32>} : memref<16x128xf32, #tpu.memory_space<vmem>>, vector<16xf32>,
        %add3A_705 = arith.addf %get3A_704, %parallel_loop3A_666#5 : vector<16xf32>
        %swap3A_706 = arith.index_cast %while3A_632 : i32 to index
        %swap3A_707 = arith.constant 80 : index
        %swap3A_708 = tpu.vector_load %arg8[%swap3A_706, %swap3A_707] {strides = array<i32>} : memref<16x128xf32, #tpu.memory_space<vmem>>, vector<16xf32>,
        tpu.vector_store %arg8[%swap3A_706, %swap3A_707], %add3A_705 {strides = array<i32>} : memref<16x128xf32, #tpu.memory_space<vmem>>, vector<16xf32>,
        %get3A_709 = arith.index_cast %while3A_632 : i32 to index
        %get3A_710 = arith.constant 96 : index
        %get3A_711 = tpu.vector_load %arg8[%get3A_709, %get3A_710] {strides = array<i32>} : memref<16x128xf32, #tpu.memory_space<vmem>>, vector<16xf32>,
        %add3A_712 = arith.addf %get3A_711, %parallel_loop3A_666#6 : vector<16xf32>
        %swap3A_713 = arith.index_cast %while3A_632 : i32 to index
        %swap3A_714 = arith.constant 96 : index
        %swap3A_715 = tpu.vector_load %arg8[%swap3A_713, %swap3A_714] {strides = array<i32>} : memref<16x128xf32, #tpu.memory_space<vmem>>, vector<16xf32>,
        tpu.vector_store %arg8[%swap3A_713, %swap3A_714], %add3A_712 {strides = array<i32>} : memref<16x128xf32, #tpu.memory_space<vmem>>, vector<16xf32>,
        %get3A_716 = arith.index_cast %while3A_632 : i32 to index
        %get3A_717 = arith.constant 112 : index
        %get3A_718 = tpu.vector_load %arg8[%get3A_716, %get3A_717] {strides = array<i32>} : memref<16x128xf32, #tpu.memory_space<vmem>>, vector<16xf32>,
        %add3A_719 = arith.addf %get3A_718, %parallel_loop3A_666#7 : vector<16xf32>
        %swap3A_720 = arith.index_cast %while3A_632 : i32 to index
        %swap3A_721 = arith.constant 112 : index
        %swap3A_722 = tpu.vector_load %arg8[%swap3A_720, %swap3A_721] {strides = array<i32>} : memref<16x128xf32, #tpu.memory_space<vmem>>, vector<16xf32>,
        tpu.vector_store %arg8[%swap3A_720, %swap3A_721], %add3A_719 {strides = array<i32>} : memref<16x128xf32, #tpu.memory_space<vmem>>, vector<16xf32>,
        %while3A_723 = arith.constant 0 : i32
        scf.yield %while3A_723 : i32
      }
      %add3A_624 = arith.constant 2 : i32
      %add3A_625 = arith.addi %add3A_587, %add3A_624 : i32
      %lt3A_626 = arith.constant 28 : i32
      %lt3A_627 = arith.cmpi slt, %add3A_625, %lt3A_626 : i32
      %convert_element_type3A_628 = arith.extui %lt3A_627 : i1 to i32
      %cond3A_629 = arith.constant 0 : i32
      %cond3A_630 = arith.cmpi ne, %convert_element_type3A_628, %cond3A_629 : i32
      scf.if %cond3A_630 {
        %add3A_632 = arith.constant 400 : i32
        %add3A_633 = arith.addi %add3A_590, %add3A_632 : i32
        %dma_start3A_634 = arith.constant 0 : i32
        %dma_start3A_635 = tpu.memref_slice %arg2[%add3A_633, %dma_start3A_634] : memref<320000x128xf32, #tpu.memory_space<hbm>> -> memref<200x128xf32, #tpu.memory_space<hbm>>
        %dma_start3A_636 = arith.constant 0 : i32
        %dma_start3A_637 = tpu.memref_slice %arg2[%add3A_633, %dma_start3A_636] : memref<320000x128xf32, #tpu.memory_space<hbm>> -> memref<200x128xf32, #tpu.memory_space<hbm>>
        tpu.enqueue_dma source(%dma_start3A_637 : memref<200x128xf32, #tpu.memory_space<hbm>>) target(%arg6 : memref<200x128xf32, #tpu.memory_space<vmem>>) target_semaphore(%arg10 : memref<!tpu.dma_semaphore, #tpu.memory_space<semaphore_mem>>)
      } else {
      }
      %scan3A_631 = arith.constant 0 : i32
      scf.yield %scan3A_631 : i32
    }
    %scan3A_542 = arith.constant 14 : i32
    "tpu.region"() ({
      %run_scoped3A = tpu.sem_alloc : memref<!tpu.dma_semaphore, #tpu.memory_space<semaphore_mem>>
      %dma_start3A_543 = arith.constant 0 : i32
      %dma_start3A_544 = arith.constant 0 : i32
      %dma_start3A_545 = tpu.memref_slice %arg4[%add3A, %dma_start3A_543, %dma_start3A_544] : memref<32x16x128xf32, #tpu.memory_space<hbm>> -> memref<1x16x128xf32, #tpu.memory_space<hbm>>
      %dma_start3A_546 = tpu.memref_squeeze %dma_start3A_545 : memref<1x16x128xf32, #tpu.memory_space<hbm>> -> memref<16x128xf32, #tpu.memory_space<hbm>>
      %dma_start3A_547 = arith.constant 0 : i32
      %dma_start3A_548 = arith.constant 0 : i32
      %dma_start3A_549 = tpu.memref_slice %arg4[%add3A, %dma_start3A_547, %dma_start3A_548] : memref<32x16x128xf32, #tpu.memory_space<hbm>> -> memref<1x16x128xf32, #tpu.memory_space<hbm>>
      %dma_start3A_550 = tpu.memref_squeeze %dma_start3A_549 : memref<1x16x128xf32, #tpu.memory_space<hbm>> -> memref<16x128xf32, #tpu.memory_space<hbm>>
      tpu.enqueue_dma source(%arg8 : memref<16x128xf32, #tpu.memory_space<vmem>>) target(%dma_start3A_550 : memref<16x128xf32, #tpu.memory_space<hbm>>) target_semaphore(%run_scoped3A : memref<!tpu.dma_semaphore, #tpu.memory_space<semaphore_mem>>)
      %dma_wait3A = arith.constant 0 : i32
      %dma_wait3A_551 = arith.constant 0 : i32
      %dma_wait3A_552 = tpu.memref_slice %arg4[%add3A, %dma_wait3A, %dma_wait3A_551] : memref<32x16x128xf32, #tpu.memory_space<hbm>> -> memref<1x16x128xf32, #tpu.memory_space<hbm>>
      %dma_wait3A_553 = tpu.memref_squeeze %dma_wait3A_552 : memref<1x16x128xf32, #tpu.memory_space<hbm>> -> memref<16x128xf32, #tpu.memory_space<hbm>>
      %dma_wait3A_554 = arith.constant 0 : i32
      %dma_wait3A_555 = arith.constant 0 : i32
      %dma_wait3A_556 = tpu.memref_slice %arg4[%add3A, %dma_wait3A_554, %dma_wait3A_555] : memref<32x16x128xf32, #tpu.memory_space<hbm>> -> memref<1x16x128xf32, #tpu.memory_space<hbm>>
      %dma_wait3A_557 = tpu.memref_squeeze %dma_wait3A_556 : memref<1x16x128xf32, #tpu.memory_space<hbm>> -> memref<16x128xf32, #tpu.memory_space<hbm>>
      tpu.wait_dma2 semaphore(%run_scoped3A : memref<!tpu.dma_semaphore, #tpu.memory_space<semaphore_mem>>) src(%arg8 : memref<16x128xf32, #tpu.memory_space<vmem>>) dst(%dma_wait3A_557 : memref<16x128xf32, #tpu.memory_space<hbm>>)
      tpu.yield
    }) : () -> ()
    return
  }
}

module attributes {stable_mosaic.version = 14 : i64} {
  func.func @_tc_combine_body(%arg0: memref<32x16x128xf32, #tpu.memory_space<vmem>>, %arg1: memref<16x128xf32, #tpu.memory_space<vmem>>, %arg2: memref<128x128xf32, #tpu.memory_space<vmem>>, %arg3: memref<16x128xf32, #tpu.memory_space<vmem>>) attributes {dimension_semantics = [], scalar_prefetch = 0 : i64, scratch_operands = 0 : i64, tpu.core_type = #tpu.core_type<tc>} {
    %get3A = arith.constant 0 : index
    %get3A_0 = arith.constant 0 : index
    %get3A_1 = arith.constant 0 : index
    %get3A_2 = vector.load %arg0[%get3A, %get3A_0, %get3A_1] : memref<32x16x128xf32, #tpu.memory_space<vmem>>, vector<32x16x128xf32>
    %reduce_sum3A = arith.constant dense<0.000000e+00> : vector<16x128xf32>
    %reduce_sum3A_3 = vector.multi_reduction <add>, %get3A_2, %reduce_sum3A [0] : vector<32x16x128xf32> to vector<16x128xf32>
    %get3A_4 = arith.constant 0 : index
    %get3A_5 = arith.constant 0 : index
    %get3A_6 = vector.load %arg1[%get3A_4, %get3A_5] : memref<16x128xf32, #tpu.memory_space<vmem>>, vector<16x128xf32>
    %add3A = arith.addf %reduce_sum3A_3, %get3A_6 : vector<16x128xf32>
    %get3A_7 = arith.constant 0 : index
    %get3A_8 = arith.constant 0 : index
    %get3A_9 = vector.load %arg2[%get3A_7, %get3A_8] : memref<128x128xf32, #tpu.memory_space<vmem>>, vector<128x128xf32>
    %dot_general3A = arith.constant dense<0.000000e+00> : vector<16x128xf32>
    %dot_general3A_10 = tpu.matmul %add3A, %get3A_9, %dot_general3A {dimension_numbers = #tpu.dot_dimension_numbers<[1], [1], [0], [0], [0, 0, 1, 0], [], []>, transpose_lhs_hint = false} : vector<16x128xf32>, vector<128x128xf32>, vector<16x128xf32> -> vector<16x128xf32>
    %swap3A = arith.constant 0 : index
    %swap3A_11 = arith.constant 0 : index
    %swap3A_12 = vector.load %arg3[%swap3A, %swap3A_11] : memref<16x128xf32, #tpu.memory_space<vmem>>, vector<16x128xf32>
    tpu.vector_store %arg3[%swap3A, %swap3A_11], %dot_general3A_10 {strides = array<i32>} : memref<16x128xf32, #tpu.memory_space<vmem>>, vector<16x128xf32>,
    return
  }
}

module attributes {stable_mosaic.version = 14 : i64} {
  func.func @_tc_seg_body(%arg0: i32, %arg1: memref<2x16xi32, #tpu.memory_space<smem>>, %arg2: memref<3200x128xf32, #tpu.memory_space<vmem>>, %arg3: memref<16x128xf32, #tpu.memory_space<vmem>>) attributes {dimension_semantics = [#tpu.dimension_semantics<arbitrary>], iteration_bounds = array<i64: 44>, scalar_prefetch = 0 : i64, scratch_operands = 0 : i64, tpu.core_type = #tpu.core_type<tc>, window_params = [{transform_indices = @transform_0, window_bounds = array<i64: 2, 16>}, {transform_indices = @transform_1, window_bounds = array<i64: 3200, 128>}, {pipeline_mode = #tpu.pipeline_mode<synchronous>, transform_indices = @transform_2, window_bounds = array<i64: 16, 128>}]} {
    %mul3A = arith.constant 3200 : i32
    %mul3A_0 = arith.muli %arg0, %mul3A : i32
    %add3A = arith.constant 179200 : i32
    %add3A_1 = arith.addi %add3A, %mul3A_0 : i32
    %eq3A = arith.constant 0 : i32
    %eq3A_2 = arith.cmpi eq, %arg0, %eq3A : i32
    %convert_element_type3A = arith.extui %eq3A_2 : i1 to i32
    %cond3A = arith.constant 0 : i32
    %cond3A_3 = arith.cmpi ne, %convert_element_type3A, %cond3A : i32
    scf.if %cond3A_3 {
      %broadcast_in_dim3A = arith.constant 0.000000e+00 : f32
      %broadcast_in_dim3A_149 = vector.broadcast %broadcast_in_dim3A : f32 to vector<16x128xf32>
      %swap3A_150 = arith.constant 0 : index
      %swap3A_151 = arith.constant 0 : index
      %swap3A_152 = vector.load %arg3[%swap3A_150, %swap3A_151] : memref<16x128xf32, #tpu.memory_space<vmem>>, vector<16x128xf32>
      tpu.vector_store %arg3[%swap3A_150, %swap3A_151], %broadcast_in_dim3A_149 {strides = array<i32>} : memref<16x128xf32, #tpu.memory_space<vmem>>, vector<16x128xf32>,
    } else {
    }
    %iota3A = tpu.iota {dimensions = array<i32: 1>} : vector<1x3200xi32>
    %add3A_4 = vector.broadcast %add3A_1 : i32 to vector<1x3200xi32>
    %add3A_5 = arith.addi %iota3A, %add3A_4 : vector<1x3200xi32>
    %get3A = arith.constant 0 : index
    %get3A_6 = arith.constant 0 : index
    %get3A_7 = memref.load %arg1[%get3A, %get3A_6] : memref<2x16xi32, #tpu.memory_space<smem>>
    %reshape3A = vector.broadcast %get3A_7 : i32 to vector<1x1xi32>
    %get3A_8 = arith.constant 0 : index
    %get3A_9 = arith.constant 1 : index
    %get3A_10 = memref.load %arg1[%get3A_8, %get3A_9] : memref<2x16xi32, #tpu.memory_space<smem>>
    %reshape3A_11 = vector.broadcast %get3A_10 : i32 to vector<1x1xi32>
    %get3A_12 = arith.constant 0 : index
    %get3A_13 = arith.constant 2 : index
    %get3A_14 = memref.load %arg1[%get3A_12, %get3A_13] : memref<2x16xi32, #tpu.memory_space<smem>>
    %reshape3A_15 = vector.broadcast %get3A_14 : i32 to vector<1x1xi32>
    %get3A_16 = arith.constant 0 : index
    %get3A_17 = arith.constant 3 : index
    %get3A_18 = memref.load %arg1[%get3A_16, %get3A_17] : memref<2x16xi32, #tpu.memory_space<smem>>
    %reshape3A_19 = vector.broadcast %get3A_18 : i32 to vector<1x1xi32>
    %get3A_20 = arith.constant 0 : index
    %get3A_21 = arith.constant 4 : index
    %get3A_22 = memref.load %arg1[%get3A_20, %get3A_21] : memref<2x16xi32, #tpu.memory_space<smem>>
    %reshape3A_23 = vector.broadcast %get3A_22 : i32 to vector<1x1xi32>
    %get3A_24 = arith.constant 0 : index
    %get3A_25 = arith.constant 5 : index
    %get3A_26 = memref.load %arg1[%get3A_24, %get3A_25] : memref<2x16xi32, #tpu.memory_space<smem>>
    %reshape3A_27 = vector.broadcast %get3A_26 : i32 to vector<1x1xi32>
    %get3A_28 = arith.constant 0 : index
    %get3A_29 = arith.constant 6 : index
    %get3A_30 = memref.load %arg1[%get3A_28, %get3A_29] : memref<2x16xi32, #tpu.memory_space<smem>>
    %reshape3A_31 = vector.broadcast %get3A_30 : i32 to vector<1x1xi32>
    %get3A_32 = arith.constant 0 : index
    %get3A_33 = arith.constant 7 : index
    %get3A_34 = memref.load %arg1[%get3A_32, %get3A_33] : memref<2x16xi32, #tpu.memory_space<smem>>
    %reshape3A_35 = vector.broadcast %get3A_34 : i32 to vector<1x1xi32>
    %get3A_36 = arith.constant 0 : index
    %get3A_37 = arith.constant 8 : index
    %get3A_38 = memref.load %arg1[%get3A_36, %get3A_37] : memref<2x16xi32, #tpu.memory_space<smem>>
    %reshape3A_39 = vector.broadcast %get3A_38 : i32 to vector<1x1xi32>
    %get3A_40 = arith.constant 0 : index
    %get3A_41 = arith.constant 9 : index
    %get3A_42 = memref.load %arg1[%get3A_40, %get3A_41] : memref<2x16xi32, #tpu.memory_space<smem>>
    %reshape3A_43 = vector.broadcast %get3A_42 : i32 to vector<1x1xi32>
    %get3A_44 = arith.constant 0 : index
    %get3A_45 = arith.constant 10 : index
    %get3A_46 = memref.load %arg1[%get3A_44, %get3A_45] : memref<2x16xi32, #tpu.memory_space<smem>>
    %reshape3A_47 = vector.broadcast %get3A_46 : i32 to vector<1x1xi32>
    %get3A_48 = arith.constant 0 : index
    %get3A_49 = arith.constant 11 : index
    %get3A_50 = memref.load %arg1[%get3A_48, %get3A_49] : memref<2x16xi32, #tpu.memory_space<smem>>
    %reshape3A_51 = vector.broadcast %get3A_50 : i32 to vector<1x1xi32>
    %get3A_52 = arith.constant 0 : index
    %get3A_53 = arith.constant 12 : index
    %get3A_54 = memref.load %arg1[%get3A_52, %get3A_53] : memref<2x16xi32, #tpu.memory_space<smem>>
    %reshape3A_55 = vector.broadcast %get3A_54 : i32 to vector<1x1xi32>
    %get3A_56 = arith.constant 0 : index
    %get3A_57 = arith.constant 13 : index
    %get3A_58 = memref.load %arg1[%get3A_56, %get3A_57] : memref<2x16xi32, #tpu.memory_space<smem>>
    %reshape3A_59 = vector.broadcast %get3A_58 : i32 to vector<1x1xi32>
    %get3A_60 = arith.constant 0 : index
    %get3A_61 = arith.constant 14 : index
    %get3A_62 = memref.load %arg1[%get3A_60, %get3A_61] : memref<2x16xi32, #tpu.memory_space<smem>>
    %reshape3A_63 = vector.broadcast %get3A_62 : i32 to vector<1x1xi32>
    %get3A_64 = arith.constant 0 : index
    %get3A_65 = arith.constant 15 : index
    %get3A_66 = memref.load %arg1[%get3A_64, %get3A_65] : memref<2x16xi32, #tpu.memory_space<smem>>
    %reshape3A_67 = vector.broadcast %get3A_66 : i32 to vector<1x1xi32>
    %concatenate3A = tpu.concatenate %reshape3A, %reshape3A_11, %reshape3A_15, %reshape3A_19, %reshape3A_23, %reshape3A_27, %reshape3A_31, %reshape3A_35, %reshape3A_39, %reshape3A_43, %reshape3A_47, %reshape3A_51, %reshape3A_55, %reshape3A_59, %reshape3A_63, %reshape3A_67 in 0 : vector<1x1xi32>, vector<1x1xi32>, vector<1x1xi32>, vector<1x1xi32>, vector<1x1xi32>, vector<1x1xi32>, vector<1x1xi32>, vector<1x1xi32>, vector<1x1xi32>, vector<1x1xi32>, vector<1x1xi32>, vector<1x1xi32>, vector<1x1xi32>, vector<1x1xi32>, vector<1x1xi32>, vector<1x1xi32> -> vector<16x1xi32>
    %get3A_68 = arith.constant 1 : index
    %get3A_69 = arith.constant 0 : index
    %get3A_70 = memref.load %arg1[%get3A_68, %get3A_69] : memref<2x16xi32, #tpu.memory_space<smem>>
    %reshape3A_71 = vector.broadcast %get3A_70 : i32 to vector<1x1xi32>
    %get3A_72 = arith.constant 1 : index
    %get3A_73 = arith.constant 1 : index
    %get3A_74 = memref.load %arg1[%get3A_72, %get3A_73] : memref<2x16xi32, #tpu.memory_space<smem>>
    %reshape3A_75 = vector.broadcast %get3A_74 : i32 to vector<1x1xi32>
    %get3A_76 = arith.constant 1 : index
    %get3A_77 = arith.constant 2 : index
    %get3A_78 = memref.load %arg1[%get3A_76, %get3A_77] : memref<2x16xi32, #tpu.memory_space<smem>>
    %reshape3A_79 = vector.broadcast %get3A_78 : i32 to vector<1x1xi32>
    %get3A_80 = arith.constant 1 : index
    %get3A_81 = arith.constant 3 : index
    %get3A_82 = memref.load %arg1[%get3A_80, %get3A_81] : memref<2x16xi32, #tpu.memory_space<smem>>
    %reshape3A_83 = vector.broadcast %get3A_82 : i32 to vector<1x1xi32>
    %get3A_84 = arith.constant 1 : index
    %get3A_85 = arith.constant 4 : index
    %get3A_86 = memref.load %arg1[%get3A_84, %get3A_85] : memref<2x16xi32, #tpu.memory_space<smem>>
    %reshape3A_87 = vector.broadcast %get3A_86 : i32 to vector<1x1xi32>
    %get3A_88 = arith.constant 1 : index
    %get3A_89 = arith.constant 5 : index
    %get3A_90 = memref.load %arg1[%get3A_88, %get3A_89] : memref<2x16xi32, #tpu.memory_space<smem>>
    %reshape3A_91 = vector.broadcast %get3A_90 : i32 to vector<1x1xi32>
    %get3A_92 = arith.constant 1 : index
    %get3A_93 = arith.constant 6 : index
    %get3A_94 = memref.load %arg1[%get3A_92, %get3A_93] : memref<2x16xi32, #tpu.memory_space<smem>>
    %reshape3A_95 = vector.broadcast %get3A_94 : i32 to vector<1x1xi32>
    %get3A_96 = arith.constant 1 : index
    %get3A_97 = arith.constant 7 : index
    %get3A_98 = memref.load %arg1[%get3A_96, %get3A_97] : memref<2x16xi32, #tpu.memory_space<smem>>
    %reshape3A_99 = vector.broadcast %get3A_98 : i32 to vector<1x1xi32>
    %get3A_100 = arith.constant 1 : index
    %get3A_101 = arith.constant 8 : index
    %get3A_102 = memref.load %arg1[%get3A_100, %get3A_101] : memref<2x16xi32, #tpu.memory_space<smem>>
    %reshape3A_103 = vector.broadcast %get3A_102 : i32 to vector<1x1xi32>
    %get3A_104 = arith.constant 1 : index
    %get3A_105 = arith.constant 9 : index
    %get3A_106 = memref.load %arg1[%get3A_104, %get3A_105] : memref<2x16xi32, #tpu.memory_space<smem>>
    %reshape3A_107 = vector.broadcast %get3A_106 : i32 to vector<1x1xi32>
    %get3A_108 = arith.constant 1 : index
    %get3A_109 = arith.constant 10 : index
    %get3A_110 = memref.load %arg1[%get3A_108, %get3A_109] : memref<2x16xi32, #tpu.memory_space<smem>>
    %reshape3A_111 = vector.broadcast %get3A_110 : i32 to vector<1x1xi32>
    %get3A_112 = arith.constant 1 : index
    %get3A_113 = arith.constant 11 : index
    %get3A_114 = memref.load %arg1[%get3A_112, %get3A_113] : memref<2x16xi32, #tpu.memory_space<smem>>
    %reshape3A_115 = vector.broadcast %get3A_114 : i32 to vector<1x1xi32>
    %get3A_116 = arith.constant 1 : index
    %get3A_117 = arith.constant 12 : index
    %get3A_118 = memref.load %arg1[%get3A_116, %get3A_117] : memref<2x16xi32, #tpu.memory_space<smem>>
    %reshape3A_119 = vector.broadcast %get3A_118 : i32 to vector<1x1xi32>
    %get3A_120 = arith.constant 1 : index
    %get3A_121 = arith.constant 13 : index
    %get3A_122 = memref.load %arg1[%get3A_120, %get3A_121] : memref<2x16xi32, #tpu.memory_space<smem>>
    %reshape3A_123 = vector.broadcast %get3A_122 : i32 to vector<1x1xi32>
    %get3A_124 = arith.constant 1 : index
    %get3A_125 = arith.constant 14 : index
    %get3A_126 = memref.load %arg1[%get3A_124, %get3A_125] : memref<2x16xi32, #tpu.memory_space<smem>>
    %reshape3A_127 = vector.broadcast %get3A_126 : i32 to vector<1x1xi32>
    %get3A_128 = arith.constant 1 : index
    %get3A_129 = arith.constant 15 : index
    %get3A_130 = memref.load %arg1[%get3A_128, %get3A_129] : memref<2x16xi32, #tpu.memory_space<smem>>
    %reshape3A_131 = vector.broadcast %get3A_130 : i32 to vector<1x1xi32>
    %concatenate3A_132 = tpu.concatenate %reshape3A_71, %reshape3A_75, %reshape3A_79, %reshape3A_83, %reshape3A_87, %reshape3A_91, %reshape3A_95, %reshape3A_99, %reshape3A_103, %reshape3A_107, %reshape3A_111, %reshape3A_115, %reshape3A_119, %reshape3A_123, %reshape3A_127, %reshape3A_131 in 0 : vector<1x1xi32>, vector<1x1xi32>, vector<1x1xi32>, vector<1x1xi32>, vector<1x1xi32>, vector<1x1xi32>, vector<1x1xi32>, vector<1x1xi32>, vector<1x1xi32>, vector<1x1xi32>, vector<1x1xi32>, vector<1x1xi32>, vector<1x1xi32>, vector<1x1xi32>, vector<1x1xi32>, vector<1x1xi32> -> vector<16x1xi32>
    %le3A = vector.broadcast %concatenate3A : vector<16x1xi32> to vector<16x3200xi32>
    %le3A_133 = vector.broadcast %add3A_5 : vector<1x3200xi32> to vector<16x3200xi32>
    %le3A_134 = arith.cmpi sle, %le3A, %le3A_133 : vector<16x3200xi32>
    %lt3A = vector.broadcast %add3A_5 : vector<1x3200xi32> to vector<16x3200xi32>
    %lt3A_135 = vector.broadcast %concatenate3A_132 : vector<16x1xi32> to vector<16x3200xi32>
    %lt3A_136 = arith.cmpi slt, %lt3A, %lt3A_135 : vector<16x3200xi32>
    %and3A = arith.andi %le3A_134, %lt3A_136 : vector<16x3200xi1>
    %convert_element_type3A_137 = arith.extui %and3A : vector<16x3200xi1> to vector<16x3200xi32>
    %convert_element_type3A_138 = arith.sitofp %convert_element_type3A_137 : vector<16x3200xi32> to vector<16x3200xf32>
    %get3A_139 = arith.constant 0 : index
    %get3A_140 = arith.constant 0 : index
    %get3A_141 = vector.load %arg3[%get3A_139, %get3A_140] : memref<16x128xf32, #tpu.memory_space<vmem>>, vector<16x128xf32>
    %get3A_142 = arith.constant 0 : index
    %get3A_143 = arith.constant 0 : index
    %get3A_144 = vector.load %arg2[%get3A_142, %get3A_143] : memref<3200x128xf32, #tpu.memory_space<vmem>>, vector<3200x128xf32>
    %dot_general3A = arith.constant dense<0.000000e+00> : vector<16x128xf32>
    %dot_general3A_145 = tpu.matmul %convert_element_type3A_138, %get3A_144, %dot_general3A {dimension_numbers = #tpu.dot_dimension_numbers<[1], [0], [0], [1], [0, 0, 1, 1], [], []>, transpose_lhs_hint = false} : vector<16x3200xf32>, vector<3200x128xf32>, vector<16x128xf32> -> vector<16x128xf32>
    %add3A_146 = arith.addf %get3A_141, %dot_general3A_145 : vector<16x128xf32>
    %swap3A = arith.constant 0 : index
    %swap3A_147 = arith.constant 0 : index
    %swap3A_148 = vector.load %arg3[%swap3A, %swap3A_147] : memref<16x128xf32, #tpu.memory_space<vmem>>, vector<16x128xf32>
    tpu.vector_store %arg3[%swap3A, %swap3A_147], %add3A_146 {strides = array<i32>} : memref<16x128xf32, #tpu.memory_space<vmem>>, vector<16x128xf32>,
    return
  }
  func.func @transform_0(%arg0: i32) -> (i32, i32) {
    %c0_i32 = arith.constant 0 : i32
    %c0_i32_0 = arith.constant 0 : i32
    %c0_i32_1 = arith.constant 0 : i32
    return %c0_i32, %c0_i32_0 : i32, i32
  }
  func.func @transform_1(%arg0: i32) -> (i32, i32) {
    %add3A = arith.constant 56 : i32
    %add3A_0 = arith.addi %add3A, %arg0 : i32
    %c0_i32 = arith.constant 0 : i32
    %c0_i32_1 = arith.constant 0 : i32
    return %add3A_0, %c0_i32 : i32, i32
  }
  func.func @transform_2(%arg0: i32) -> (i32, i32) {
    %c0_i32 = arith.constant 0 : i32
    %c0_i32_0 = arith.constant 0 : i32
    %c0_i32_1 = arith.constant 0 : i32
    return %c0_i32, %c0_i32_0 : i32, i32
  }
}

</mosaic_0001>

<sc_bundles>
// kernel: kernel.5.cloned.1.call-start
scs
__scs_entry_jumppad:
0x0: {  	(pc) =	sbr.rel $0x88, $3  }
0x1: {  	(tag) =	ssettag $0x0;
	lr =	simm.s32 $0x1  }
0x2: {  	[smem:$0x3F9E] =	sst lr;
	_ =	strace $0xD0000000  }
0x3: {  	_ = 	snop  }
0x4: {  	_ = 	snop  }
0x5: {  	_ = 	snop  }
0x6: {  	_ = 	snop  }
0x7: {  	_ = 	snop  }
__scs_overlays_trampoline_lowered:
0x8: {  	[smem:$0x3FAD] =	sst s0  }
0x9: {  	[smem:$0x3FAE] =	sst s1  }
0xa: {  	[smem:$0x3FAF] =	sst s2  }
0xb: {  	[smem:$0x3FB0] =	sst s3  }
0xc: {  	[smem:$0x3FB1] =	sst s4  }
0xd: {  	[smem:$0x3FB2] =	sst s5  }
0xe: {  	[smem:$0x3FB3] =	sst s6  }
0xf: {  	[smem:$0x3FB4] =	sst s7  }
0x10: {  	[smem:$0x3FB5] =	sst s8  }
0x11: {  	[smem:$0x3FB6] =	sst s9;
	s0 =	simm.s32 @!p0 $0x0  }
0x12: {  	s1 =	sld [smem:$0x3F9C];
	s0 =	simm.s32 @p0 $0x1  }
0x13: {  	[smem:$0x3FB7] =	sst s0;
	s0 =	simm.s32 @!p1 $0x0  }
0x14: {  	s2 =	sld [smem:$0x3F9B];
	s0 =	simm.s32 @p1 $0x1  }
0x15: {  	[smem:$0x3FB8] =	sst s0;
	s0 =	simm.s32 @!p2 $0x0  }
0x16: {  	s3 =	sld [smem:$0x3FDB];
	s0 =	simm.s32 @p2 $0x1  }
0x17: {  	s4 =	simm.s32 $0x1BF5;
	[smem:$0x3FBA] =	sst s0  }
0x18: {  	s0 =	sld [smem:$0x3F9D];
	_ =	swait.ge [sflag:s4], $0x0  }
0x19: {  	s7 =	sld [smem:$0x3F9E]  }
0x1a: {  	s8 =	sadd.s32 $0xFFFFE003, lr  }
0x1b: {  	s9 =	sadd.s32 $0xFFFFFEF7, lr;
	s5 =	simm.s32 $0xFFFFFFFF;
	p2 =	slt.u32 s8, $0xFFFFF086  }
0x1c: {  	p1 =	slt.u32 s9, $0xF7A;
	s5 =	simm.s32 @!p2 $0x0  }
0x1d: {  	s5 =	simm.s32 @p1 $0x1;
	p0 =	seq.s32 s7, s2  }
0x1e: {  	s7 =	smul.u32 @!p0 $0xF7A, s2;
	p2 =	seq.s32 @!p0 s5, $0x0  }
0x1f: {  	s9 =	smul.u32 $0xF7A, s1;
	s8 =	simm.s32 @!p0 $0x1BF5;
	p2 =	por !p2, p0  }
0x20: {  	[sflag:s8] =	ssyncset.s32 @!p0 $0xFFFFF086;
	s6 =	sadd.s32 @!p0 s3, s7;
	s7 =	simm.s32 @!p0 $0x108  }
0x21: {  	s3 =	sadd.s32 s3, s9;
	s6 =	sadd.s32 @!p0 $0x88, s6;
	s7 =	simm.s32 @p2 $0x1082  }
0x22: {  	[simem:s7], [sflag:s8] =	dma.local @!p0 [hbm:s6], $0xF7A  }
0x23: {  	s9 =	sor.u32 $0xD0000000, s2;
	s6 =	simm.s32 $0x108;
	_ =	swait.ge @!p0 [sflag:s8], $0x0  }
0x24: {  	s3 =	sadd.s32 $0x88, s3;
	s6 =	simm.s32 @!p1 $0x1082;
	[sflag:s4] =	ssyncset.s32 $0xFFFFF086  }
0x25: {  	[simem:s6], [sflag:s4] =	dma.local [hbm:s3], $0xF7A  }
0x26: {  	[smem:$0x3F9E] =	sst s1;
	(tag) =	ssettag s2;
	_ =	strace s9  }
0x27: {  	s1 =	sld [smem:$0x3FAE]  }
0x28: {  	s2 =	sld [smem:$0x3FAF]  }
0x29: {  	s4 =	sld [smem:$0x3FB1]  }
0x2a: {  	p0 =	seq.s32 s5, $0x0;
	s5 =	sld [smem:$0x3FB2]  }
0x2b: {  	s6 =	sld [smem:$0x3FB3]  }
0x2c: {  	s7 =	sld [smem:$0x3FB4]  }
0x2d: {  	s3 =	simm.s32 $0x108;
	s8 =	sld [smem:$0x3FB5]  }
0x2e: {  	s3 =	simm.s32 @!p0 $0x1082;
	s9 =	sld [smem:$0x3FB6]  }
0x2f: {  	lr =	sadd.s32 s0, s3;
	s0 =	sld [smem:$0x3FAD]  }
0x30: {  	s3 =	sld [smem:$0x3FB0]  }
0x31: {  	[smem:$0x3FB9] =	sst s10  }
0x32: {  	s10 =	sld [smem:$0x3FB7];
	_ =	sdelay $0x3  }
0x33: {  	p0 =	seq.s32 s10, $0x1;
	s10 =	sld [smem:$0x3FB9];
	_ =	sdelay $0x3  }
0x34: {  	[smem:$0x3FB9] =	sst s10  }
0x35: {  	s10 =	sld [smem:$0x3FB8];
	_ =	sdelay $0x3  }
0x36: {  	p1 =	seq.s32 s10, $0x1;
	s10 =	sld [smem:$0x3FB9];
	_ =	sdelay $0x3  }
0x37: {  	[smem:$0x3FB9] =	sst s10  }
0x38: {  	s10 =	sld [smem:$0x3FBA]  }
0x39: {  	_ = 	snop;
	(pc) =	sbr.ind lr, $3  }
0x3a: {  	_ = 	snop  }
0x3b: {  	_ = 	snop  }
0x3c: {  	p2 =	seq.s32 s10, $0x1;
	s10 =	sld [smem:$0x3FB9]  }
0x3d: {  	_ =	shalt  }
0x3e: {  	_ =	shalt  }
0x3f: {  	_ =	shalt  }
0x40: {  	_ =	shalt  }
0x41: {  	_ =	shalt  }
0x42: {  	_ =	shalt  }
0x43: {  	_ =	shalt  }
0x44: {  	_ =	shalt  }
0x45: {  	_ =	shalt  }
0x46: {  	_ =	shalt  }
0x47: {  	_ =	shalt  }
0x48: {  	_ =	shalt  }
0x49: {  	_ =	shalt  }
0x4a: {  	_ =	shalt  }
0x4b: {  	_ =	shalt  }
0x4c: {  	_ =	shalt  }
0x4d: {  	_ =	shalt  }
0x4e: {  	_ =	shalt  }
0x4f: {  	_ =	shalt  }
0x50: {  	_ =	shalt  }
0x51: {  	_ =	shalt  }
0x52: {  	_ =	shalt  }
0x53: {  	_ =	shalt  }
0x54: {  	_ =	shalt  }
0x55: {  	_ =	shalt  }
0x56: {  	_ =	shalt  }
0x57: {  	_ =	shalt  }
0x58: {  	_ =	shalt  }
0x59: {  	_ =	shalt  }
0x5a: {  	_ =	shalt  }
0x5b: {  	_ =	shalt  }
0x5c: {  	_ =	shalt  }
0x5d: {  	_ =	shalt  }
0x5e: {  	_ =	shalt  }
0x5f: {  	_ =	shalt  }
0x60: {  	_ =	shalt  }
0x61: {  	_ =	shalt  }
0x62: {  	_ =	shalt  }
0x63: {  	_ =	shalt  }
0x64: {  	_ =	shalt  }
0x65: {  	_ =	shalt  }
0x66: {  	_ =	shalt  }
0x67: {  	_ =	shalt  }
0x68: {  	_ =	shalt  }
0x69: {  	_ =	shalt  }
0x6a: {  	_ =	shalt  }
0x6b: {  	_ =	shalt  }
0x6c: {  	_ =	shalt  }
0x6d: {  	_ =	shalt  }
0x6e: {  	_ =	shalt  }
0x6f: {  	_ =	shalt  }
0x70: {  	_ =	shalt  }
0x71: {  	_ =	shalt  }
0x72: {  	_ =	shalt  }
0x73: {  	_ =	shalt  }
0x74: {  	_ =	shalt  }
0x75: {  	_ =	shalt  }
0x76: {  	_ =	shalt  }
0x77: {  	_ =	shalt  }
0x78: {  	_ =	shalt  }
0x79: {  	_ =	shalt  }
0x7a: {  	_ =	shalt  }
0x7b: {  	_ =	shalt  }
0x7c: {  	_ =	shalt  }
0x7d: {  	_ =	shalt  }
0x7e: {  	_ =	shalt  }
0x7f: {  	_ =	shalt  }
0x80: {  	_ =	shalt  }
0x81: {  	_ =	shalt  }
0x82: {  	_ =	shalt  }
0x83: {  	_ =	shalt  }
0x84: {  	_ =	shalt  }
0x85: {  	_ =	shalt  }
0x86: {  	_ =	shalt  }
0x87: {  	_ =	shalt  }
.Lfunc_end0:
.L_simem_size_0:
called_computation_lowered:
.L_overlay_start_0:
0x88: {  	s2 =	sld [smem:$0x3FD9]  }
0x89: {  	s3 =	sld [smem:$0x3FFE];
	_ =	sdelay $0x1  }
0x8a: {  	s1 =	srdreg.scid  }
0x8b: {  	s0 =	sand.u32 $0x1, s1  }
0x8c: {  	s17 =	sshll.u32 s0, $0xA;
	s2 =	sadd.s32 s3, s2  }
0x8d: {  	s2 =	sadd.s32 s2, s17  }
0x8e: {  	[smem:$0x3FC5] =	sst s2  }
0x8f: {  	_ = 	snop  }
0x90: {  	s2 =	sld [smem:$0x3FC9]  }
0x91: {  	s18 =	sld [smem:$0x3FD0];
	(tm) =	ssettm $0x1  }
0x92: {  	s4 =	sld [smem:$0x3FFB];
	_ =	sdelay $0x3  }
0x93: {  	_ =	strace s4  }
0x94: {  	s4 =	sld [smem:$0x3FFC];
	_ =	sdelay $0x3  }
0x95: {  	_ =	strace s4  }
0x96: {  	s4 =	sld [smem:$0x3FFD];
	_ =	sdelay $0x3  }
0x97: {  	_ =	strace s4  }
0x98: {  	_ =	strace $0x8FFFFFFF  }
0x99: {  	s19 =	sld [smem:$0x3FDB];
	_ =	sdelay $0x1  }
0x9a: {  	s5 =	simm.s32 $_scs_section_size  }
0x9b: {  	s6 =	simm.s32 $_size__tile_overlayer_lowered;
	s7 =	simm.s32 $_tile_overlayer_lowered  }
0x9c: {  	s22 =	simm.s32 $0x1BFF;
	s21 =	sshll.u32 s7, $0x1;
	s4 =	sadd.s32 s5, s19  }
0x9d: {  	s8 =	simm.s32 $0x0;
	s20 =	sshll.u32 s6, $0x1;
	s6 =	sadd.s32 s21, s4  }
0x9e: {  	[timem:s8], [sflag:s22] =	dma.local [hbm:s6], s20  }
0x9f: {  	_ =	swait.ge [sflag:s22], s20  }
0xa0: {  	s5 =	ssub.s32 $0x0, s20;
	[sflag:s22] =	ssyncset.done $0x0  }
0xa1: {  	[sflag:s22] =	ssyncadd.s32 s5;
	_ =	sdelay $0x1  }
0xa2: {  	s23 =	simm.s32 $0x1B8B  }
0xa3: {  	_ =	swait.ge [sflag:s23], $0x1  }
0xa4: {  	[sflag:s23] =	ssyncset.done $0x0  }
0xa5: {  	s25 =	simm.s32 $0x1B8E;
	s24 =	sld [smem:$0x3FFE];
	[sflag:s23] =	ssyncadd.s32 $0xFFFFFFFF  }
0xa6: {  	s26 =	simm.s32 $execute0_lowered;
	[smem:$0x3FD2] =	sst s25  }
0xa7: {  	s6 =	sshll.u32 s26, $0x1;
	_ =	strace $0x80000046;
	[dreg:$0x1] =	wrdreg $0xFFFFFFFF  }
0xa8: {  	s28 =	simm.s32 $_size_execute0_lowered;
	s4 =	sadd.s32 s4, s6;
	[dreg:$0x0] =	wrdreg $0x0  }
0xa9: {  	s6 =	sshll.u32 s28, $0x1;
	[dreg:$0x2] =	wrdreg s4  }
0xaa: {  	[dreg:$0x3] =	wrdreg s6  }
0xab: {  	[dreg:$0x4] =	wrdreg $0xC0  }
0xac: {  	_ =	task [dreg:s8], $0x5FFFF  }
0xad: {  	[dreg:$0x1] =	wrdreg $0xFFFFFFFF  }
0xae: {  	[dreg:$0x0] =	wrdreg $0x60  }
0xaf: {  	[dreg:$0x2] =	wrdreg s2  }
0xb0: {  	[dreg:$0x3] =	wrdreg s18  }
0xb1: {  	[dreg:$0x4] =	wrdreg s24  }
0xb2: {  	[dreg:$0x5] =	wrdreg $0x9  }
0xb3: {  	_ =	task.clear_ibuf [dreg:s8], $0x6FFFF;
	_ =	strace $0x90000046  }
0xb4: {  	s29 =	simm.s32 $0x9;
	_ =	strace $0x80000048  }
0xb5: {  	_ =	swait.ge [sflag:s29], $0x1  }
0xb6: {  	[sflag:s29] =	ssyncadd.s32 $0xFFFFFFFF  }
0xb7: {  	_ =	strace $0x90000048  }
0xb8: {  	_ =	sfence  }
0xb9: {  	s30 =	sld [smem:$0x0];
	_ =	sdelay $0x2  }
0xba: {  	s31 =	sshll.u32 s1, $0xD;
	s1 =	sshrl.u32 s1, $0x2  }
0xbb: {  	s3 =	sand.u32 $0x4000, s31;
	s1 =	sadd.s32 s1, s30  }
0xbc: {  	s0 =	sor.u32 s3, s0;
	s1 =	sshll.u32 s1, $0x11  }
0xbd: {  	s0 =	sor.u32 s1, s0  }
0xbe: {  	s0 =	sadd.s32 $0x8F2B, s0  }
0xbf: {  	[sflag:s0] =	ssyncadd.remote.s32 $0x1  }
0xc0: {  	_ =	sfence.sel $0xFFFF  }
0xc1: {  	[dreg:$0x0] =	wrdreg $0xFFFFFFFF;
	(pc) =	sbr.abs _section_cstart, $3  }
0xc2: {  	[dreg:$0x1] =	wrdreg $0xFFFFFFFF  }
0xc3: {  	_ =	task.clear_ibuf [dreg:s8], $0x2FFFF;
	_ =	strace $0x9FFFFFFF  }
0xc4: {  	(tm) =	ssettm $0x7FFFFFFF  }
0xc5: {  	_ =	shalt  }
tec
execute0_lowered:
.L_overlay_start_1:
0x0: {  	(tag) =	ssettag $0x1  }
0x1: {  	s0 =	rddreg [dreg:$0x0]  }
0x2: {  	s1 =	rddreg [dreg:$0x2];
	s2 =	srdreg.scid;
	s3 =	simm.s32 $0x0  }
0x3: {  	s10 =	stileid.u32;
	s17 =	simm.s32 $0x3;
	s18 =	simm.s32 $0x6400  }
0x4: {  	s19 =	simm.s32 $0x1;
	s2 =	sand.u32 $0x1, s2;
	s9 =	smul.u32 $0x15E0, s10  }
0x5: {  	s20 =	simm.s32 $0x2;
	s29 =	smul.u32 $0xFFFFEA20, s10;
	s4 =	sshll.u32 s2, $0x4  }
0x6: {  	s7 =	ssub.s32 $0x2, s2;
	s2 =	smul.u32 $0x15E00, s2;
	s5 =	sor.u32 s10, s4  }
0x7: {  	s22 =	simm.s32 $0x0;
	[smem:$0x7FF] =	sst s3;
	s4 =	smul.u32 $0x15E0, s5  }
0x8: {  	_ =	strace $0x80000047;
	s25 =	sshrl.u32 s7, $0x1;
	s8 =	smul.u32 $0xAF000, s5  }
0x9: {  	s6 =	sshll.u32 s5, $0x8;
	s5 =	smul.u32 $0x15E00, s5;
	s10 =	sadd.s32 s9, s2  }
0xa: {  	s1 =	sadd.s32 s6, s1;
	s6 =	ssub.s32 s7, s25;
	s30 =	sadd.s32 $0xC8, s10  }
0xb: {  	s7 =	sadd.s32 $0x1900, s0;
	s5 =	sadd.s32 s0, s5;
	[dreg:$0x8] =	wrdreg s30  }
.Ltmp0:
0xc: {  	s1 =	sadd.s32 $0xC00, s1;
	[dreg:$0x4] =	wrdreg s5;
	(pc) =	sbr.rel .LBB2_1-.Ltmp0, $4  }
0xd: {  	s26 =	sshrl.u32 s8, $0x3;
	s31 =	smax.u32 s6, $0x1;
	[dreg:$0x6] =	wrdreg s1  }
0xe: {  	s28 =	sadd.s32 s0, s26;
	s0 =	ssub.s32 s29, s2;
	[dreg:$0x9] =	wrdreg s31  }
0xf: {  	s13 =	ssub.s32 $0xFFFFFF38, s10;
	s5 =	sadd.s32 $0xC80, s28;
	[dreg:$0x7] =	wrdreg s0  }
0x10: {  	v0 =	vimm.f32 $0.0e+00;
	v1 =	vimm.s32 $0x0;
	v2 =	vlaneseq.u32;
	s15 =	sadd.s32 $0x190, s10;
	s8 =	sadd.s32 $0xC8, s4;
	[dreg:$0x5] =	wrdreg s5  }
.LBB2_24:
0x11: {  	s0 =	rddreg [dreg:$0x6];
	s1 =	simm.s32 $0xC900  }
0x12: {  	[hbm4b:s0+s3] =	stream.linear.scatter [tilespmem:s1], [sflag:$0x3], $0x800, $0x38;
	[tilespmem:$0xD100] =	vst v63  }
0x13: {  	_ =	swait.ge [sflag:s17], $0x800  }
0x14: {  	s22 =	sadd.s32 $0x1, s22;
	s31 =	rddreg [dreg:$0x9]  }
0x15: {  	p0 =	sne.s32 s22, s31  }
.Ltmp1:
0x16: {  	_ = 	snop;
	(pc) =	sbr.rel @!p0 .LBB2_25-.Ltmp1, $3  }
0x17: {  	_ =	sdelay $0x1  }
0x18: {  	[sflag:s17] =	ssyncset.done $0x0  }
0x19: {  	[sflag:s17] =	ssyncadd.s32 $0xFFFFF800  }
.LBB2_1:
0x1a: {  	s0 =	rddreg [dreg:$0x1];
	s1 =	simm.s32 $0xC800  }
0x1b: {  	[tilespmem:s1], [sflag:$0x3] =	stream.linear.gather [hbm4b:s0+s3], $0x100, $0x38;
	[tilespmem:$0xD100] =	vst v63  }
0x1c: {  	_ =	swait.ge [sflag:s17], $0x100  }
0x1d: {  	[sflag:s17] =	ssyncset.done $0x0  }
0x1e: {  	[sflag:s17] =	ssyncadd.s32 $0xFFFFFF00  }
0x1f: {  	[tilespmem:$0xC900] =	vst v0  }
0x20: {  	[tilespmem:$0xC910] =	vst v0  }
0x21: {  	[tilespmem:$0xC920] =	vst v0  }
0x22: {  	[tilespmem:$0xC930] =	vst v0  }
0x23: {  	[tilespmem:$0xC940] =	vst v0  }
0x24: {  	[tilespmem:$0xC950] =	vst v0  }
0x25: {  	[tilespmem:$0xC960] =	vst v0  }
0x26: {  	[tilespmem:$0xC970] =	vst v0  }
0x27: {  	[tilespmem:$0xC980] =	vst v0  }
0x28: {  	[tilespmem:$0xC990] =	vst v0  }
0x29: {  	[tilespmem:$0xC9A0] =	vst v0  }
0x2a: {  	[tilespmem:$0xC9B0] =	vst v0  }
0x2b: {  	[tilespmem:$0xC9C0] =	vst v0  }
0x2c: {  	[tilespmem:$0xC9D0] =	vst v0  }
0x2d: {  	[tilespmem:$0xC9E0] =	vst v0  }
0x2e: {  	[tilespmem:$0xC9F0] =	vst v0  }
0x2f: {  	[tilespmem:$0xCA00] =	vst v0  }
0x30: {  	[tilespmem:$0xCA10] =	vst v0  }
0x31: {  	[tilespmem:$0xCA20] =	vst v0  }
0x32: {  	[tilespmem:$0xCA30] =	vst v0  }
0x33: {  	[tilespmem:$0xCA40] =	vst v0  }
0x34: {  	[tilespmem:$0xCA50] =	vst v0  }
0x35: {  	[tilespmem:$0xCA60] =	vst v0  }
0x36: {  	[tilespmem:$0xCA70] =	vst v0  }
0x37: {  	[tilespmem:$0xCA80] =	vst v0  }
0x38: {  	[tilespmem:$0xCA90] =	vst v0  }
0x39: {  	[tilespmem:$0xCAA0] =	vst v0  }
0x3a: {  	[tilespmem:$0xCAB0] =	vst v0  }
0x3b: {  	[tilespmem:$0xCAC0] =	vst v0  }
0x3c: {  	[tilespmem:$0xCAD0] =	vst v0  }
0x3d: {  	[tilespmem:$0xCAE0] =	vst v0  }
0x3e: {  	[tilespmem:$0xCAF0] =	vst v0  }
0x3f: {  	[tilespmem:$0xCB00] =	vst v0  }
0x40: {  	[tilespmem:$0xCB10] =	vst v0  }
0x41: {  	[tilespmem:$0xCB20] =	vst v0  }
0x42: {  	[tilespmem:$0xCB30] =	vst v0  }
0x43: {  	[tilespmem:$0xCB40] =	vst v0  }
0x44: {  	[tilespmem:$0xCB50] =	vst v0  }
0x45: {  	[tilespmem:$0xCB60] =	vst v0  }
0x46: {  	[tilespmem:$0xCB70] =	vst v0  }
0x47: {  	[tilespmem:$0xCB80] =	vst v0  }
0x48: {  	[tilespmem:$0xCB90] =	vst v0  }
0x49: {  	[tilespmem:$0xCBA0] =	vst v0  }
0x4a: {  	[tilespmem:$0xCBB0] =	vst v0  }
0x4b: {  	[tilespmem:$0xCBC0] =	vst v0  }
0x4c: {  	[tilespmem:$0xCBD0] =	vst v0  }
0x4d: {  	[tilespmem:$0xCBE0] =	vst v0  }
0x4e: {  	[tilespmem:$0xCBF0] =	vst v0  }
0x4f: {  	[tilespmem:$0xCC00] =	vst v0  }
0x50: {  	[tilespmem:$0xCC10] =	vst v0  }
0x51: {  	[tilespmem:$0xCC20] =	vst v0  }
0x52: {  	[tilespmem:$0xCC30] =	vst v0  }
0x53: {  	[tilespmem:$0xCC40] =	vst v0  }
0x54: {  	[tilespmem:$0xCC50] =	vst v0  }
0x55: {  	[tilespmem:$0xCC60] =	vst v0  }
0x56: {  	[tilespmem:$0xCC70] =	vst v0  }
0x57: {  	[tilespmem:$0xCC80] =	vst v0  }
0x58: {  	[tilespmem:$0xCC90] =	vst v0  }
0x59: {  	[tilespmem:$0xCCA0] =	vst v0  }
0x5a: {  	[tilespmem:$0xCCB0] =	vst v0  }
0x5b: {  	[tilespmem:$0xCCC0] =	vst v0  }
0x5c: {  	[tilespmem:$0xCCD0] =	vst v0  }
0x5d: {  	[tilespmem:$0xCCE0] =	vst v0  }
0x5e: {  	[tilespmem:$0xCCF0] =	vst v0  }
0x5f: {  	[tilespmem:$0xCD00] =	vst v0  }
0x60: {  	[tilespmem:$0xCD10] =	vst v0  }
0x61: {  	[tilespmem:$0xCD20] =	vst v0  }
0x62: {  	[tilespmem:$0xCD30] =	vst v0  }
0x63: {  	[tilespmem:$0xCD40] =	vst v0  }
0x64: {  	[tilespmem:$0xCD50] =	vst v0  }
0x65: {  	[tilespmem:$0xCD60] =	vst v0  }
0x66: {  	[tilespmem:$0xCD70] =	vst v0  }
0x67: {  	[tilespmem:$0xCD80] =	vst v0  }
0x68: {  	[tilespmem:$0xCD90] =	vst v0  }
0x69: {  	[tilespmem:$0xCDA0] =	vst v0  }
0x6a: {  	[tilespmem:$0xCDB0] =	vst v0  }
0x6b: {  	[tilespmem:$0xCDC0] =	vst v0  }
0x6c: {  	[tilespmem:$0xCDD0] =	vst v0  }
0x6d: {  	[tilespmem:$0xCDE0] =	vst v0  }
0x6e: {  	[tilespmem:$0xCDF0] =	vst v0  }
0x6f: {  	[tilespmem:$0xCE00] =	vst v0  }
0x70: {  	[tilespmem:$0xCE10] =	vst v0  }
0x71: {  	[tilespmem:$0xCE20] =	vst v0  }
0x72: {  	[tilespmem:$0xCE30] =	vst v0  }
0x73: {  	[tilespmem:$0xCE40] =	vst v0  }
0x74: {  	[tilespmem:$0xCE50] =	vst v0  }
0x75: {  	[tilespmem:$0xCE60] =	vst v0  }
0x76: {  	[tilespmem:$0xCE70] =	vst v0  }
0x77: {  	[tilespmem:$0xCE80] =	vst v0  }
0x78: {  	[tilespmem:$0xCE90] =	vst v0  }
0x79: {  	[tilespmem:$0xCEA0] =	vst v0  }
0x7a: {  	[tilespmem:$0xCEB0] =	vst v0  }
0x7b: {  	[tilespmem:$0xCEC0] =	vst v0  }
0x7c: {  	[tilespmem:$0xCED0] =	vst v0  }
0x7d: {  	[tilespmem:$0xCEE0] =	vst v0  }
0x7e: {  	[tilespmem:$0xCEF0] =	vst v0  }
0x7f: {  	[tilespmem:$0xCF00] =	vst v0  }
0x80: {  	[tilespmem:$0xCF10] =	vst v0  }
0x81: {  	[tilespmem:$0xCF20] =	vst v0  }
0x82: {  	[tilespmem:$0xCF30] =	vst v0  }
0x83: {  	[tilespmem:$0xCF40] =	vst v0  }
0x84: {  	[tilespmem:$0xCF50] =	vst v0  }
0x85: {  	[tilespmem:$0xCF60] =	vst v0  }
0x86: {  	[tilespmem:$0xCF70] =	vst v0  }
0x87: {  	[tilespmem:$0xCF80] =	vst v0  }
0x88: {  	[tilespmem:$0xCF90] =	vst v0  }
0x89: {  	[tilespmem:$0xCFA0] =	vst v0  }
0x8a: {  	[tilespmem:$0xCFB0] =	vst v0  }
0x8b: {  	[tilespmem:$0xCFC0] =	vst v0  }
0x8c: {  	[tilespmem:$0xCFD0] =	vst v0  }
0x8d: {  	[tilespmem:$0xCFE0] =	vst v0  }
0x8e: {  	[tilespmem:$0xCFF0] =	vst v0  }
0x8f: {  	[tilespmem:$0xD000] =	vst v0  }
0x90: {  	[tilespmem:$0xD010] =	vst v0  }
0x91: {  	[tilespmem:$0xD020] =	vst v0  }
0x92: {  	[tilespmem:$0xD030] =	vst v0  }
0x93: {  	[tilespmem:$0xD040] =	vst v0  }
0x94: {  	[tilespmem:$0xD050] =	vst v0  }
0x95: {  	[tilespmem:$0xD060] =	vst v0  }
0x96: {  	[tilespmem:$0xD070] =	vst v0  }
0x97: {  	[tilespmem:$0xD080] =	vst v0  }
0x98: {  	[tilespmem:$0xD090] =	vst v0  }
0x99: {  	[tilespmem:$0xD0A0] =	vst v0  }
0x9a: {  	[tilespmem:$0xD0B0] =	vst v0  }
0x9b: {  	[tilespmem:$0xD0C0] =	vst v0  }
0x9c: {  	s30 =	rddreg [dreg:$0x4];
	[tilespmem:$0xD0D0] =	vst v0  }
0x9d: {  	s31 =	rddreg [dreg:$0x5];
	[tilespmem:$0xD0E0] =	vst v0  }
0x9e: {  	s23 =	smov.u32 s15;
	s24 =	smov.u32 s10;
	s26 =	rddreg [dreg:$0x8];
	v3 =	vld [tilespmem:$0xC800];
	[tilespmem:$0xD0F0] =	vst v0  }
0x9f: {  	v4 =	vld [tilespmem:$0xC880];
	[tilespmem:s3], [sflag:$0x1] =	stream.linear.gather [hbm4b:s30+s3], $0x6400, $0x38  }
0xa0: {  	s25 =	smov.u32 s13;
	s29 =	simm.s32 $0x0;
	s28 =	rddreg [dreg:$0x7]  }
0xa1: {  	[tilespmem:s18], [sflag:$0x2] =	stream.linear.gather [hbm4b:s31+s3], $0x6400, $0x38;
	[tilespmem:$0xD100] =	vst v63  }
.LBB2_2:
0xa2: {  	s30 =	smul.u32 $0x190, s29;
	_ =	sdelay $0x1  }
0xa3: {  	s31 =	sadd.s32 s4, s30  }
0xa4: {  	vm0 =	vle.s32 v4, s31;
	s0 =	sadd.s32 $0xC7, s31  }
0xa5: {  	_ =	swait.ge [sflag:s19], $0x6400;
	v5 =	vsel vm0, $0x1, v1;
	vm15 =	vle.s32 v4, s0  }
0xa6: {  	(xrf0) =	vadd.scan.msk.s32 $0xffff, v5;
	v5 =	vsel vm15, $0x1, v1  }
0xa7: {  	(xrf0) =	vadd.scan.msk.s32 $0xffff, v5;
	_ =	sdelay $0x4  }
0xa8: {  	v5, _, _ =	vpop (xrf0)  }
0xa9: {  	(v2sf) =	vpush v5, $0xF;
	v5, _, _ =	vpop (xrf0)  }
0xaa: {  	(v2sf) =	vpush v5, $0xF;
	_ =	sdelay $0xd  }
0xab: {  	s2 =	spop (v2sf)  }
0xac: {  	s0 =	spop (v2sf)  }
0xad: {  	s1 =	sadd.s32 $0x1, s0  }
0xae: {  	p0 =	sge.s32 s2, s1  }
.Ltmp2:
0xaf: {  	_ = 	snop;
	(pc) =	sbr.rel @p0 .LBB2_12-.Ltmp2, $3  }
0xb0: {  	_ =	sdelay $0x1  }
0xb1: {  	[sflag:s19] =	ssyncset.done $0x0  }
0xb2: {  	[sflag:s19] =	ssyncadd.s32 $0xFFFF9C00  }
.Ltmp3:
0xb3: {  	(pc) =	sbr.rel .LBB2_4-.Ltmp3, $2  }
0xb4: {  	_ =	sdelay $0x2  }
0xb5: {  	s1 =	sadd.s32 $0xC8, s31  }
.LBB2_11:
0xb6: {  	s5 =	sshll.u32 s2, $0x9  }
0xb7: {  	s5 =	sshra.s32 s5, $0x2  }
0xb8: {  	v13 =	vld [tilespmem:s5+$0xC900]  }
0xb9: {  	v14 =	vld [tilespmem:s5+$0xC910]  }
0xba: {  	v15 =	vld [tilespmem:s5+$0xC920]  }
0xbb: {  	v16 =	vld [tilespmem:s5+$0xC930]  }
0xbc: {  	v17 =	vld [tilespmem:s5+$0xC940]  }
0xbd: {  	v61 =	vld [tilespmem:s5+$0xC950];
	v5 =	vadd.f32 v13, v5  }
0xbe: {  	v62 =	vld [tilespmem:s5+$0xC960];
	v6 =	vadd.f32 v14, v6  }
0xbf: {  	v63 =	vld [tilespmem:s5+$0xC970];
	[tilespmem:s5+$0xC900] =	vst v5;
	v5 =	vadd.f32 v15, v8  }
0xc0: {  	[tilespmem:s5+$0xC910] =	vst v6;
	v6 =	vadd.f32 v16, v7  }
0xc1: {  	p0 =	sne.s32 s2, s0;
	[tilespmem:s5+$0xC920] =	vst v5;
	v5 =	vadd.f32 v17, v9  }
.Ltmp4:
0xc2: {  	[tilespmem:s5+$0xC930] =	vst v6;
	v6 =	vadd.f32 v61, v10;
	(pc) =	sbr.rel @!p0 .LBB2_12-.Ltmp4, $4  }
0xc3: {  	[tilespmem:s5+$0xC940] =	vst v5;
	v5 =	vadd.f32 v62, v11  }
0xc4: {  	[tilespmem:s5+$0xC950] =	vst v6;
	v6 =	vadd.f32 v63, v12  }
0xc5: {  	[tilespmem:s5+$0xC960] =	vst v5  }
0xc6: {  	s2 =	sadd.s32 $0x1, s2;
	[tilespmem:s5+$0xC970] =	vst v6  }
.LBB2_4:
0xc7: {  	v5 =	vmov s2  }
0xc8: {  	vm0 =	veq.s32 v5, v2  }
0xc9: {  	v5 =	vnsel vm0, $0x0, v3  }
0xca: {  	(xrf0) =	vadd.scan.msk.s32 $0xffff, v5;
	v5 =	vnsel vm0, $0x0, v4  }
0xcb: {  	(xrf0) =	vadd.scan.msk.s32 $0xffff, v5;
	_ =	sdelay $0x4  }
0xcc: {  	v5, _, _ =	vpop (xrf0)  }
0xcd: {  	(v2sf) =	vpush v5, $0xF;
	v5, _, _ =	vpop (xrf0)  }
0xce: {  	(v2sf) =	vpush v5, $0xF;
	_ =	sdelay $0xd  }
0xcf: {  	s12 =	spop (v2sf)  }
0xd0: {  	s16 =	spop (v2sf);
	p0 =	sgt.s32 s31, s12  }
0xd1: {  	s5 =	smov.u32 s12;
	p1 =	slt.s32 s1, s16;
	s6 =	smov.u32 s16  }
0xd2: {  	s5 =	smov.u32 @p0 s31;
	s6 =	smov.u32 @p1 s1  }
0xd3: {  	s11 =	ssub.s32 s5, s31;
	s6 =	ssub.s32 s6, s31  }
0xd4: {  	s21 =	ssub.s32 s6, s11  }
0xd5: {  	s14 =	sshra.s32 s21, $0x1F  }
0xd6: {  	s5 =	sshrl.u32 s14, $0x1E  }
0xd7: {  	s5 =	sadd.s32 s5, s21  }
0xd8: {  	s5 =	sand.u32 $0xFFFFFFFC, s5  }
0xd9: {  	s9 =	sadd.s32 s11, s5  }
0xda: {  	p0 =	sge.s32 s11, s9  }
.Ltmp5:
0xdb: {  	_ = 	snop;
	(pc) =	sbr.rel @p0 .LBB2_8-.Ltmp5, $4  }
0xdc: {  	_ = 	snop  }
0xdd: {  	v6 =	vimm.f32 $0.0e+00;
	v8 =	vimm.f32 $0.0e+00  }
0xde: {  	v7 =	vimm.f32 $0.0e+00;
	v9 =	vimm.f32 $0.0e+00;
	v10 =	vimm.f32 $0.0e+00  }
0xdf: {  	v11 =	vimm.f32 $0.0e+00;
	v12 =	vimm.f32 $0.0e+00;
	v5 =	vimm.f32 $0.0e+00  }
0xe0: {  	p0 =	sgt.s32 s12, s24;
	s14 =	smov.u32 s24  }
0xe1: {  	s14 =	smov.u32 @p0 s12  }
0xe2: {  	s12 =	sadd.s32 s14, s28  }
0xe3: {  	s12 =	sshll.u32 s12, $0x9  }
0xe4: {  	s12 =	sshra.s32 s12, $0x2  }
0xe5: {  	s12 =	sadd.s32 $0x100, s12  }
0xe6: {  	v5 =	vld [tilespmem:s12+$0x80]  }
0xe7: {  	v6 =	vld [tilespmem:s12+$0x90]  }
0xe8: {  	v7 =	vld [tilespmem:s12+$0xA0]  }
0xe9: {  	v17 =	vld [tilespmem:s12+$0xB0]  }
0xea: {  	v9 =	vld [tilespmem:s12+$0xC0]  }
0xeb: {  	v10 =	vld [tilespmem:s12+$0xD0]  }
0xec: {  	v8 =	vld [tilespmem:s12+$0x0]  }
0xed: {  	v14 =	vld [tilespmem:s12+$0x10]  }
0xee: {  	v15 =	vld [tilespmem:s12+$0x20]  }
0xef: {  	v16 =	vld [tilespmem:s12+$0x30]  }
0xf0: {  	v11 =	vld [tilespmem:s12+$0x40]  }
0xf1: {  	v12 =	vld [tilespmem:s12+$0x50]  }
0xf2: {  	v18 =	vld [tilespmem:s12+$0xFFFFFF80]  }
0xf3: {  	v19 =	vld [tilespmem:s12+$0xFFFFFF90]  }
0xf4: {  	v20 =	vld [tilespmem:s12+$0xFFFFFF00]  }
0xf5: {  	v21 =	vld [tilespmem:s12+$0xFFFFFF10]  }
0xf6: {  	v22 =	vld [tilespmem:s12+$0xFFFFFF20]  }
0xf7: {  	v23 =	vld [tilespmem:s12+$0xFFFFFF30]  }
0xf8: {  	v24 =	vld [tilespmem:s12+$0xFFFFFFA0]  }
0xf9: {  	v25 =	vld [tilespmem:s12+$0xFFFFFFB0]  }
0xfa: {  	v13 =	vimm.f32 $0.0e+00;
	v26 =	vld [tilespmem:s12+$0xFFFFFFC0]  }
0xfb: {  	v27 =	vld [tilespmem:s12+$0xFFFFFFD0];
	v20 =	vadd.f32 v20, v13;
	v21 =	vadd.f32 v21, v13  }
0xfc: {  	v29 =	vld [tilespmem:s12+$0xFFFFFF50];
	v22 =	vadd.f32 v22, v13;
	v23 =	vadd.f32 v23, v13  }
0xfd: {  	v28 =	vld [tilespmem:s12+$0xFFFFFF40];
	v18 =	vadd.f32 v18, v20;
	v19 =	vadd.f32 v19, v21  }
0xfe: {  	v20 =	vld [tilespmem:s12+$0xFFFFFF60];
	v21 =	vadd.f32 v24, v22;
	v22 =	vadd.f32 v25, v23  }
0xff: {  	s14 =	sadd.s32 $0x4, s11;
	v23 =	vld [tilespmem:s12+$0xFFFFFF70];
	v8 =	vadd.f32 v8, v18;
	v18 =	vadd.f32 v14, v19  }
0x100: {  	p0 =	slt.s32 s14, s9;
	v14 =	vld [tilespmem:s12+$0xFFFFFFE0];
	v19 =	vadd.f32 v15, v21;
	v21 =	vadd.f32 v16, v22  }
.Ltmp6:
0x101: {  	v16 =	vld [tilespmem:s12+$0xFFFFFFF0];
	v22 =	vadd.f32 v29, v13;
	v5 =	vadd.f32 v5, v8;
	(pc) =	sbr.rel @!p0 .LBB2_7-.Ltmp6, $4  }
0x102: {  	v15 =	vld [tilespmem:s12+$0x60];
	v6 =	vadd.f32 v6, v18;
	v8 =	vadd.f32 v7, v19  }
0x103: {  	v7 =	vadd.f32 v17, v21;
	v18 =	vadd.f32 v28, v13;
	v17 =	vld [tilespmem:s12+$0x70]  }
0x104: {  	v19 =	vadd.f32 v20, v13;
	v20 =	vadd.f32 v23, v13;
	v13 =	vld [tilespmem:s12+$0xE0]  }
0x105: {  	s11 =	sadd.s32 $0x200, s12;
	v22 =	vadd.f32 v27, v22;
	v21 =	vadd.f32 v26, v18;
	v18 =	vld [tilespmem:s12+$0xF0]  }
.LBB2_6:
0x106: {  	v23 =	vld [tilespmem:s11+$0x80];
	v14 =	vadd.f32 v14, v19;
	v16 =	vadd.f32 v16, v20  }
0x107: {  	v19 =	vld [tilespmem:s11+$0x90];
	v11 =	vadd.f32 v11, v21;
	v12 =	vadd.f32 v12, v22  }
0x108: {  	v20 =	vld [tilespmem:s11+$0xA0];
	v14 =	vadd.f32 v15, v14;
	v15 =	vadd.f32 v17, v16  }
0x109: {  	v17 =	vld [tilespmem:s11+$0xB0];
	v21 =	vadd.f32 v9, v11;
	v22 =	vadd.f32 v10, v12  }
0x10a: {  	v9 =	vld [tilespmem:s11+$0xC0];
	v13 =	vadd.f32 v13, v14;
	v18 =	vadd.f32 v18, v15  }
0x10b: {  	v10 =	vld [tilespmem:s11+$0xD0]  }
0x10c: {  	v14 =	vld [tilespmem:s11+$0x0]  }
0x10d: {  	v15 =	vld [tilespmem:s11+$0x10]  }
0x10e: {  	v16 =	vld [tilespmem:s11+$0x20]  }
0x10f: {  	v24 =	vld [tilespmem:s11+$0x30]  }
0x110: {  	v11 =	vld [tilespmem:s11+$0x40]  }
0x111: {  	v12 =	vld [tilespmem:s11+$0x50]  }
0x112: {  	v25 =	vld [tilespmem:s11+$0xFFFFFF80]  }
0x113: {  	v26 =	vld [tilespmem:s11+$0xFFFFFF90]  }
0x114: {  	v27 =	vld [tilespmem:s11+$0xFFFFFF00]  }
0x115: {  	v28 =	vld [tilespmem:s11+$0xFFFFFF10]  }
0x116: {  	v29 =	vld [tilespmem:s11+$0xFFFFFF20]  }
0x117: {  	v30 =	vld [tilespmem:s11+$0xFFFFFF30]  }
0x118: {  	v31 =	vld [tilespmem:s11+$0xFFFFFFA0]  }
0x119: {  	v32 =	vld [tilespmem:s11+$0xFFFFFFB0]  }
0x11a: {  	v33 =	vld [tilespmem:s11+$0xFFFFFFC0]  }
0x11b: {  	v5 =	vadd.f32 v27, v5;
	v6 =	vadd.f32 v28, v6;
	v27 =	vld [tilespmem:s11+$0xFFFFFFD0]  }
0x11c: {  	v8 =	vadd.f32 v29, v8;
	v7 =	vadd.f32 v30, v7;
	v28 =	vld [tilespmem:s11+$0xFFFFFF40]  }
0x11d: {  	v5 =	vadd.f32 v25, v5;
	v6 =	vadd.f32 v26, v6;
	v29 =	vld [tilespmem:s11+$0xFFFFFF50]  }
0x11e: {  	v8 =	vadd.f32 v31, v8;
	v25 =	vld [tilespmem:s11+$0xFFFFFF60];
	v7 =	vadd.f32 v32, v7  }
0x11f: {  	s14 =	sadd.s32 $0x4, s14;
	v5 =	vadd.f32 v14, v5;
	v6 =	vadd.f32 v15, v6;
	v26 =	vld [tilespmem:s11+$0xFFFFFF70]  }
0x120: {  	p0 =	slt.s32 s14, s9;
	v8 =	vadd.f32 v16, v8;
	v14 =	vld [tilespmem:s11+$0xFFFFFFE0];
	v7 =	vadd.f32 v24, v7  }
.Ltmp7:
0x121: {  	v5 =	vadd.f32 v23, v5;
	v6 =	vadd.f32 v19, v6;
	v16 =	vld [tilespmem:s11+$0xFFFFFFF0];
	(pc) =	sbr.rel @p0 .LBB2_6-.Ltmp7, $4  }
0x122: {  	v8 =	vadd.f32 v20, v8;
	v15 =	vld [tilespmem:s11+$0x60];
	v7 =	vadd.f32 v17, v7  }
0x123: {  	v21 =	vadd.f32 v28, v21;
	v22 =	vadd.f32 v29, v22;
	v17 =	vld [tilespmem:s11+$0x70]  }
0x124: {  	v19 =	vadd.f32 v25, v13;
	v20 =	vadd.f32 v26, v18;
	v13 =	vld [tilespmem:s11+$0xE0]  }
0x125: {  	v21 =	vadd.f32 v33, v21;
	v22 =	vadd.f32 v27, v22;
	v18 =	vld [tilespmem:s11+$0xF0];
	s11 =	sadd.s32 $0x200, s11  }
.LBB2_7:
0x126: {  	v14 =	vadd.f32 v14, v19;
	v16 =	vadd.f32 v16, v20  }
0x127: {  	v11 =	vadd.f32 v11, v21;
	v12 =	vadd.f32 v12, v22  }
0x128: {  	v14 =	vadd.f32 v15, v14;
	v15 =	vadd.f32 v17, v16  }
0x129: {  	v9 =	vadd.f32 v9, v11;
	v10 =	vadd.f32 v10, v12  }
0x12a: {  	v11 =	vadd.f32 v13, v14;
	v12 =	vadd.f32 v18, v15  }
.LBB2_8:
0x12b: {  	p0 =	sge.s32 s9, s6  }
.Ltmp8:
0x12c: {  	_ = 	snop;
	(pc) =	sbr.rel @p0 .LBB2_11-.Ltmp8, $1  }
0x12d: {  	_ =	sdelay $0x3  }
0x12e: {  	p0 =	slt.s32 s16, s26;
	s6 =	smov.u32 s26  }
0x12f: {  	s6 =	smov.u32 @p0 s16  }
0x130: {  	s5 =	ssub.s32 s21, s5;
	s6 =	sadd.s32 s6, s28  }
0x131: {  	s6 =	ssub.s32 s6, s5  }
0x132: {  	s6 =	sshll.u32 s6, $0x9  }
0x133: {  	s6 =	sshra.s32 s6, $0x2  }
0x134: {  	s6 =	sor.u32 $0x40, s6  }
.LBB2_10:
0x135: {  	v13 =	vld [tilespmem:s6+$0xFFFFFFC0]  }
0x136: {  	v14 =	vld [tilespmem:s6+$0xFFFFFFD0]  }
0x137: {  	v15 =	vld [tilespmem:s6+$0xFFFFFFE0]  }
0x138: {  	v16 =	vld [tilespmem:s6+$0xFFFFFFF0]  }
0x139: {  	v17 =	vld [tilespmem:s6+$0x0]  }
0x13a: {  	v18 =	vld [tilespmem:s6+$0x10]  }
0x13b: {  	v19 =	vld [tilespmem:s6+$0x20]  }
0x13c: {  	v20 =	vld [tilespmem:s6+$0x30];
	p0 =	sne.s32 s5, $0x1  }
.Ltmp9:
0x13d: {  	_ = 	snop;
	(pc) =	sbr.rel @p0 .LBB2_10-.Ltmp9, $4  }
0x13e: {  	v5 =	vadd.f32 v13, v5;
	v6 =	vadd.f32 v14, v6  }
0x13f: {  	v8 =	vadd.f32 v15, v8;
	v7 =	vadd.f32 v16, v7  }
0x140: {  	v9 =	vadd.f32 v17, v9;
	v10 =	vadd.f32 v18, v10  }
0x141: {  	s6 =	sadd.s32 $0x80, s6;
	s5 =	sadd.s32 $0xFFFFFFFF, s5;
	v11 =	vadd.f32 v19, v11;
	v12 =	vadd.f32 v20, v12  }
.Ltmp10:
0x142: {  	_ = 	snop;
	(pc) =	sbr.rel .LBB2_11-.Ltmp10, $1  }
0x143: {  	_ =	sdelay $0x3  }
.LBB2_12:
0x144: {  	p0 =	seq.s32 s29, $0xD  }
0x145: {  	s30 =	sadd.s32 s30, s8;
	s0 =	sshll.u32 @!p0 s31, $0x4  }
0x146: {  	s1 =	simm.s32 @!p0 $0x0;
	s21 =	sadd.s32 $0xC7, s30;
	s0 =	sadd.s32 @!p0 s0, s7  }
0x147: {  	vm0 =	vle.s32 v4, s30;
	[tilespmem:s1], [sflag:$0x1] =	stream.linear.gather @!p0 [hbm4b:s0+s1], $0x6400, $0x38;
	[tilespmem:$0xD100] =	vst v63  }
0x148: {  	v5 =	vsel vm0, $0x1, v1;
	vm15 =	vle.s32 v4, s21;
	_ =	swait.ge [sflag:s20], $0x6400  }
0x149: {  	(xrf0) =	vadd.scan.msk.s32 $0xffff, v5;
	v5 =	vsel vm15, $0x1, v1  }
0x14a: {  	(xrf0) =	vadd.scan.msk.s32 $0xffff, v5;
	_ =	sdelay $0x4  }
0x14b: {  	v5, _, _ =	vpop (xrf0)  }
0x14c: {  	(v2sf) =	vpush v5, $0xF;
	v5, _, _ =	vpop (xrf0)  }
0x14d: {  	(v2sf) =	vpush v5, $0xF;
	_ =	sdelay $0xd  }
0x14e: {  	s2 =	spop (v2sf)  }
0x14f: {  	s0 =	spop (v2sf)  }
0x150: {  	s31 =	sadd.s32 $0x1, s0  }
0x151: {  	p1 =	sge.s32 s2, s31  }
.Ltmp11:
0x152: {  	_ = 	snop;
	(pc) =	sbr.rel @p1 .LBB2_22-.Ltmp11, $3  }
0x153: {  	_ =	sdelay $0x1  }
0x154: {  	[sflag:s20] =	ssyncset.done $0x0  }
0x155: {  	[sflag:s20] =	ssyncadd.s32 $0xFFFF9C00  }
.Ltmp12:
0x156: {  	(pc) =	sbr.rel .LBB2_14-.Ltmp12, $2  }
0x157: {  	_ =	sdelay $0x2  }
0x158: {  	s1 =	sadd.s32 $0xC8, s30  }
.LBB2_21:
0x159: {  	s5 =	sshll.u32 s2, $0x9  }
0x15a: {  	s5 =	sshra.s32 s5, $0x2  }
0x15b: {  	v13 =	vld [tilespmem:s5+$0xC900]  }
0x15c: {  	v14 =	vld [tilespmem:s5+$0xC910]  }
0x15d: {  	v15 =	vld [tilespmem:s5+$0xC920]  }
0x15e: {  	v16 =	vld [tilespmem:s5+$0xC930]  }
0x15f: {  	v17 =	vld [tilespmem:s5+$0xC940]  }
0x160: {  	v61 =	vld [tilespmem:s5+$0xC950];
	v5 =	vadd.f32 v13, v5  }
0x161: {  	v62 =	vld [tilespmem:s5+$0xC960];
	v6 =	vadd.f32 v14, v6  }
0x162: {  	v63 =	vld [tilespmem:s5+$0xC970];
	[tilespmem:s5+$0xC900] =	vst v5;
	v5 =	vadd.f32 v15, v8  }
0x163: {  	[tilespmem:s5+$0xC910] =	vst v6;
	v6 =	vadd.f32 v16, v7  }
0x164: {  	p1 =	sne.s32 s2, s0;
	[tilespmem:s5+$0xC920] =	vst v5;
	v5 =	vadd.f32 v17, v9  }
.Ltmp13:
0x165: {  	[tilespmem:s5+$0xC930] =	vst v6;
	v6 =	vadd.f32 v61, v10;
	(pc) =	sbr.rel @!p1 .LBB2_22-.Ltmp13, $4  }
0x166: {  	[tilespmem:s5+$0xC940] =	vst v5;
	v5 =	vadd.f32 v62, v11  }
0x167: {  	[tilespmem:s5+$0xC950] =	vst v6;
	v6 =	vadd.f32 v63, v12  }
0x168: {  	[tilespmem:s5+$0xC960] =	vst v5  }
0x169: {  	s2 =	sadd.s32 $0x1, s2;
	[tilespmem:s5+$0xC970] =	vst v6  }
.LBB2_14:
0x16a: {  	v5 =	vmov s2  }
0x16b: {  	vm0 =	veq.s32 v5, v2  }
0x16c: {  	v5 =	vnsel vm0, $0x0, v3  }
0x16d: {  	(xrf0) =	vadd.scan.msk.s32 $0xffff, v5;
	v5 =	vnsel vm0, $0x0, v4  }
0x16e: {  	(xrf0) =	vadd.scan.msk.s32 $0xffff, v5;
	_ =	sdelay $0x4  }
0x16f: {  	v5, _, _ =	vpop (xrf0)  }
0x170: {  	(v2sf) =	vpush v5, $0xF;
	v5, _, _ =	vpop (xrf0)  }
0x171: {  	(v2sf) =	vpush v5, $0xF;
	_ =	sdelay $0xd  }
0x172: {  	s12 =	spop (v2sf)  }
0x173: {  	s16 =	spop (v2sf);
	p1 =	sgt.s32 s30, s12  }
0x174: {  	s5 =	smov.u32 s12;
	p2 =	slt.s32 s1, s16;
	s6 =	smov.u32 s16  }
0x175: {  	s5 =	smov.u32 @p1 s30;
	s6 =	smov.u32 @p2 s1  }
0x176: {  	s11 =	ssub.s32 s5, s30;
	s6 =	ssub.s32 s6, s30  }
0x177: {  	s21 =	ssub.s32 s6, s11  }
0x178: {  	s31 =	sshra.s32 s21, $0x1F  }
0x179: {  	s5 =	sshrl.u32 s31, $0x1E  }
0x17a: {  	s5 =	sadd.s32 s5, s21  }
0x17b: {  	s5 =	sand.u32 $0xFFFFFFFC, s5  }
0x17c: {  	s9 =	sadd.s32 s11, s5  }
0x17d: {  	p1 =	sge.s32 s11, s9  }
.Ltmp14:
0x17e: {  	_ = 	snop;
	(pc) =	sbr.rel @p1 .LBB2_18-.Ltmp14, $4  }
0x17f: {  	_ = 	snop  }
0x180: {  	v6 =	vimm.f32 $0.0e+00;
	v8 =	vimm.f32 $0.0e+00  }
0x181: {  	v7 =	vimm.f32 $0.0e+00;
	v9 =	vimm.f32 $0.0e+00;
	v10 =	vimm.f32 $0.0e+00  }
0x182: {  	v11 =	vimm.f32 $0.0e+00;
	v12 =	vimm.f32 $0.0e+00;
	v5 =	vimm.f32 $0.0e+00  }
0x183: {  	p1 =	sgt.s32 s12, s26;
	s14 =	smov.u32 s26  }
0x184: {  	s14 =	smov.u32 @p1 s12  }
0x185: {  	s12 =	sadd.s32 s14, s25  }
0x186: {  	s12 =	sshll.u32 s12, $0x9  }
0x187: {  	s12 =	sshra.s32 s12, $0x2  }
0x188: {  	s12 =	sadd.s32 $0x6500, s12  }
0x189: {  	v5 =	vld [tilespmem:s12+$0x80]  }
0x18a: {  	v6 =	vld [tilespmem:s12+$0x90]  }
0x18b: {  	v7 =	vld [tilespmem:s12+$0xA0]  }
0x18c: {  	v17 =	vld [tilespmem:s12+$0xB0]  }
0x18d: {  	v9 =	vld [tilespmem:s12+$0xC0]  }
0x18e: {  	v10 =	vld [tilespmem:s12+$0xD0]  }
0x18f: {  	v8 =	vld [tilespmem:s12+$0x0]  }
0x190: {  	v14 =	vld [tilespmem:s12+$0x10]  }
0x191: {  	v15 =	vld [tilespmem:s12+$0x20]  }
0x192: {  	v16 =	vld [tilespmem:s12+$0x30]  }
0x193: {  	v11 =	vld [tilespmem:s12+$0x40]  }
0x194: {  	v12 =	vld [tilespmem:s12+$0x50]  }
0x195: {  	v18 =	vld [tilespmem:s12+$0xFFFFFF80]  }
0x196: {  	v19 =	vld [tilespmem:s12+$0xFFFFFF90]  }
0x197: {  	v20 =	vld [tilespmem:s12+$0xFFFFFF00]  }
0x198: {  	v21 =	vld [tilespmem:s12+$0xFFFFFF10]  }
0x199: {  	v22 =	vld [tilespmem:s12+$0xFFFFFF20]  }
0x19a: {  	v23 =	vld [tilespmem:s12+$0xFFFFFF30]  }
0x19b: {  	v24 =	vld [tilespmem:s12+$0xFFFFFFA0]  }
0x19c: {  	v25 =	vld [tilespmem:s12+$0xFFFFFFB0]  }
0x19d: {  	v13 =	vimm.f32 $0.0e+00;
	v26 =	vld [tilespmem:s12+$0xFFFFFFC0]  }
0x19e: {  	v27 =	vld [tilespmem:s12+$0xFFFFFFD0];
	v20 =	vadd.f32 v20, v13;
	v21 =	vadd.f32 v21, v13  }
0x19f: {  	v29 =	vld [tilespmem:s12+$0xFFFFFF50];
	v22 =	vadd.f32 v22, v13;
	v23 =	vadd.f32 v23, v13  }
0x1a0: {  	v28 =	vld [tilespmem:s12+$0xFFFFFF40];
	v18 =	vadd.f32 v18, v20;
	v19 =	vadd.f32 v19, v21  }
0x1a1: {  	v20 =	vld [tilespmem:s12+$0xFFFFFF60];
	v21 =	vadd.f32 v24, v22;
	v22 =	vadd.f32 v25, v23  }
0x1a2: {  	s14 =	sadd.s32 $0x4, s11;
	v23 =	vld [tilespmem:s12+$0xFFFFFF70];
	v8 =	vadd.f32 v8, v18;
	v18 =	vadd.f32 v14, v19  }
0x1a3: {  	p1 =	slt.s32 s14, s9;
	v14 =	vld [tilespmem:s12+$0xFFFFFFE0];
	v19 =	vadd.f32 v15, v21;
	v21 =	vadd.f32 v16, v22  }
.Ltmp15:
0x1a4: {  	v16 =	vld [tilespmem:s12+$0xFFFFFFF0];
	v22 =	vadd.f32 v29, v13;
	v5 =	vadd.f32 v5, v8;
	(pc) =	sbr.rel @!p1 .LBB2_17-.Ltmp15, $4  }
0x1a5: {  	v15 =	vld [tilespmem:s12+$0x60];
	v6 =	vadd.f32 v6, v18;
	v8 =	vadd.f32 v7, v19  }
0x1a6: {  	v7 =	vadd.f32 v17, v21;
	v18 =	vadd.f32 v28, v13;
	v17 =	vld [tilespmem:s12+$0x70]  }
0x1a7: {  	v19 =	vadd.f32 v20, v13;
	v20 =	vadd.f32 v23, v13;
	v13 =	vld [tilespmem:s12+$0xE0]  }
0x1a8: {  	s11 =	sadd.s32 $0x200, s12;
	v22 =	vadd.f32 v27, v22;
	v21 =	vadd.f32 v26, v18;
	v18 =	vld [tilespmem:s12+$0xF0]  }
.LBB2_16:
0x1a9: {  	v23 =	vld [tilespmem:s11+$0x80];
	v14 =	vadd.f32 v14, v19;
	v16 =	vadd.f32 v16, v20  }
0x1aa: {  	v19 =	vld [tilespmem:s11+$0x90];
	v11 =	vadd.f32 v11, v21;
	v12 =	vadd.f32 v12, v22  }
0x1ab: {  	v20 =	vld [tilespmem:s11+$0xA0];
	v14 =	vadd.f32 v15, v14;
	v15 =	vadd.f32 v17, v16  }
0x1ac: {  	v17 =	vld [tilespmem:s11+$0xB0];
	v21 =	vadd.f32 v9, v11;
	v22 =	vadd.f32 v10, v12  }
0x1ad: {  	v9 =	vld [tilespmem:s11+$0xC0];
	v13 =	vadd.f32 v13, v14;
	v18 =	vadd.f32 v18, v15  }
0x1ae: {  	v10 =	vld [tilespmem:s11+$0xD0]  }
0x1af: {  	v14 =	vld [tilespmem:s11+$0x0]  }
0x1b0: {  	v15 =	vld [tilespmem:s11+$0x10]  }
0x1b1: {  	v16 =	vld [tilespmem:s11+$0x20]  }
0x1b2: {  	v24 =	vld [tilespmem:s11+$0x30]  }
0x1b3: {  	v11 =	vld [tilespmem:s11+$0x40]  }
0x1b4: {  	v12 =	vld [tilespmem:s11+$0x50]  }
0x1b5: {  	v25 =	vld [tilespmem:s11+$0xFFFFFF80]  }
0x1b6: {  	v26 =	vld [tilespmem:s11+$0xFFFFFF90]  }
0x1b7: {  	v27 =	vld [tilespmem:s11+$0xFFFFFF00]  }
0x1b8: {  	v28 =	vld [tilespmem:s11+$0xFFFFFF10]  }
0x1b9: {  	v29 =	vld [tilespmem:s11+$0xFFFFFF20]  }
0x1ba: {  	v30 =	vld [tilespmem:s11+$0xFFFFFF30]  }
0x1bb: {  	v31 =	vld [tilespmem:s11+$0xFFFFFFA0]  }
0x1bc: {  	v32 =	vld [tilespmem:s11+$0xFFFFFFB0]  }
0x1bd: {  	v33 =	vld [tilespmem:s11+$0xFFFFFFC0]  }
0x1be: {  	v5 =	vadd.f32 v27, v5;
	v6 =	vadd.f32 v28, v6;
	v27 =	vld [tilespmem:s11+$0xFFFFFFD0]  }
0x1bf: {  	v8 =	vadd.f32 v29, v8;
	v7 =	vadd.f32 v30, v7;
	v28 =	vld [tilespmem:s11+$0xFFFFFF40]  }
0x1c0: {  	v5 =	vadd.f32 v25, v5;
	v6 =	vadd.f32 v26, v6;
	v29 =	vld [tilespmem:s11+$0xFFFFFF50]  }
0x1c1: {  	v8 =	vadd.f32 v31, v8;
	v25 =	vld [tilespmem:s11+$0xFFFFFF60];
	v7 =	vadd.f32 v32, v7  }
0x1c2: {  	s14 =	sadd.s32 $0x4, s14;
	v5 =	vadd.f32 v14, v5;
	v6 =	vadd.f32 v15, v6;
	v26 =	vld [tilespmem:s11+$0xFFFFFF70]  }
0x1c3: {  	p1 =	slt.s32 s14, s9;
	v8 =	vadd.f32 v16, v8;
	v14 =	vld [tilespmem:s11+$0xFFFFFFE0];
	v7 =	vadd.f32 v24, v7  }
.Ltmp16:
0x1c4: {  	v5 =	vadd.f32 v23, v5;
	v6 =	vadd.f32 v19, v6;
	v16 =	vld [tilespmem:s11+$0xFFFFFFF0];
	(pc) =	sbr.rel @p1 .LBB2_16-.Ltmp16, $4  }
0x1c5: {  	v8 =	vadd.f32 v20, v8;
	v15 =	vld [tilespmem:s11+$0x60];
	v7 =	vadd.f32 v17, v7  }
0x1c6: {  	v21 =	vadd.f32 v28, v21;
	v22 =	vadd.f32 v29, v22;
	v17 =	vld [tilespmem:s11+$0x70]  }
0x1c7: {  	v19 =	vadd.f32 v25, v13;
	v20 =	vadd.f32 v26, v18;
	v13 =	vld [tilespmem:s11+$0xE0]  }
0x1c8: {  	v21 =	vadd.f32 v33, v21;
	v22 =	vadd.f32 v27, v22;
	v18 =	vld [tilespmem:s11+$0xF0];
	s11 =	sadd.s32 $0x200, s11  }
.LBB2_17:
0x1c9: {  	v14 =	vadd.f32 v14, v19;
	v16 =	vadd.f32 v16, v20  }
0x1ca: {  	v11 =	vadd.f32 v11, v21;
	v12 =	vadd.f32 v12, v22  }
0x1cb: {  	v14 =	vadd.f32 v15, v14;
	v15 =	vadd.f32 v17, v16  }
0x1cc: {  	v9 =	vadd.f32 v9, v11;
	v10 =	vadd.f32 v10, v12  }
0x1cd: {  	v11 =	vadd.f32 v13, v14;
	v12 =	vadd.f32 v18, v15  }
.LBB2_18:
0x1ce: {  	p1 =	sge.s32 s9, s6  }
.Ltmp17:
0x1cf: {  	_ = 	snop;
	(pc) =	sbr.rel @p1 .LBB2_21-.Ltmp17, $1  }
0x1d0: {  	_ =	sdelay $0x3  }
0x1d1: {  	p1 =	slt.s32 s16, s23;
	s6 =	smov.u32 s23  }
0x1d2: {  	s6 =	smov.u32 @p1 s16  }
0x1d3: {  	s5 =	ssub.s32 s21, s5;
	s6 =	sadd.s32 s6, s25  }
0x1d4: {  	s6 =	ssub.s32 s6, s5  }
0x1d5: {  	s6 =	sshll.u32 s6, $0x9  }
0x1d6: {  	s6 =	sshra.s32 s6, $0x2  }
0x1d7: {  	s6 =	sadd.s32 $0x6440, s6  }
.LBB2_20:
0x1d8: {  	v13 =	vld [tilespmem:s6+$0xFFFFFFC0]  }
0x1d9: {  	v14 =	vld [tilespmem:s6+$0xFFFFFFD0]  }
0x1da: {  	v15 =	vld [tilespmem:s6+$0xFFFFFFE0]  }
0x1db: {  	v16 =	vld [tilespmem:s6+$0xFFFFFFF0]  }
0x1dc: {  	v17 =	vld [tilespmem:s6+$0x0]  }
0x1dd: {  	v18 =	vld [tilespmem:s6+$0x10]  }
0x1de: {  	v19 =	vld [tilespmem:s6+$0x20]  }
0x1df: {  	v20 =	vld [tilespmem:s6+$0x30];
	p1 =	sne.s32 s5, $0x1  }
.Ltmp18:
0x1e0: {  	_ = 	snop;
	(pc) =	sbr.rel @p1 .LBB2_20-.Ltmp18, $4  }
0x1e1: {  	v5 =	vadd.f32 v13, v5;
	v6 =	vadd.f32 v14, v6  }
0x1e2: {  	v8 =	vadd.f32 v15, v8;
	v7 =	vadd.f32 v16, v7  }
0x1e3: {  	v9 =	vadd.f32 v17, v9;
	v10 =	vadd.f32 v18, v10  }
0x1e4: {  	s6 =	sadd.s32 $0x80, s6;
	s5 =	sadd.s32 $0xFFFFFFFF, s5;
	v11 =	vadd.f32 v19, v11;
	v12 =	vadd.f32 v20, v12  }
.Ltmp19:
0x1e5: {  	_ = 	snop;
	(pc) =	sbr.rel .LBB2_21-.Ltmp19, $1  }
0x1e6: {  	_ =	sdelay $0x3  }
.LBB2_22:
.Ltmp20:
0x1e7: {  	(pc) =	sbr.rel @p0 .LBB2_24-.Ltmp20, $1  }
0x1e8: {  	_ =	sdelay $0x3  }
.Ltmp21:
0x1e9: {  	(pc) =	sbr.rel .LBB2_2-.Ltmp21, $4  }
0x1ea: {  	s0 =	sshll.u32 s30, $0x4;
	s24 =	sadd.s32 $0x190, s24  }
0x1eb: {  	s29 =	sadd.s32 $0x1, s29;
	s28 =	sadd.s32 $0xFFFFFE70, s28;
	s26 =	sadd.s32 $0x190, s26  }
0x1ec: {  	s25 =	sadd.s32 $0xFFFFFE70, s25;
	s23 =	sadd.s32 $0x190, s23;
	s0 =	sadd.s32 s0, s7  }
0x1ed: {  	[tilespmem:s18], [sflag:$0x2] =	stream.linear.gather [hbm4b:s0+s3], $0x6400, $0x38;
	[tilespmem:$0xD100] =	vst v63  }
.LBB2_25:
0x1ee: {  	_ =	sfence.sel $0x180000  }
0x1ef: {  	[bflag:$0x0] =	sbarrier.arrive $0xFFFF  }
0x1f0: {  	_ =	strace $0x90000047  }
0x1f1: {  	s0 =	stileid.u32;
	[bflag:$0x2] =	sbarrier.arrive $0xFFFF  }
0x1f2: {  	p0 =	sne.s32 s0, $0x0;
	s0 =	rddreg [dreg:$0x3]  }
0x1f3: {  	s0 =	sadd.s32 @!p0 $0x100000, s0  }
0x1f4: {  	[sflag:s0] =	ssyncadd.tile.s32 @!p0 $0x1;
	_ =	shalt  }
.Lfunc_end2:
_tile_overlayer_lowered:
.L_overlay_start_2:
0x1f5: {  	(tag) =	ssettag $0x2  }
0x1f6: {  	s0 =	rddreg [dreg:$0x0];
	s2 =	stileid.u32  }
0x1f7: {  	s1 =	rddreg [dreg:$0x1];
	p0 =	sne.s32 s2, $0x0  }
0x1f8: {  	s3 =	rddreg [dreg:$0x2];
	[bflag:$0x3] =	sbarrier.arrive $0xFFFF;
	s2 =	simm.s32 @!p0 $0x1C03  }
0x1f9: {  	[timem:s3], [sflag:s2] =	dma.local @!p0 [hbm:s0], s1  }
0x1fa: {  	s0 =	simm.s32 @!p0 $0x3  }
0x1fb: {  	_ =	swait.ge @!p0 [sflag:s0], s1  }
0x1fc: {  	s1 =	ssub.s32 @!p0 $0x0, s1;
	[sflag:s0] =	ssyncset.done @!p0 $0x0  }
0x1fd: {  	[sflag:s0] =	ssyncadd.s32 @!p0 s1  }
0x1fe: {  	[bflag:$0x3] =	sbarrier.arrive $0xFFFF  }
0x1ff: {  	_ =	shalt  }

</sc_bundles>
